<compile_context>
chip_gen: v7x
topology: tpu7x:2x2x1
jax: 0.10.2.dev20260603
libtpu: 0.0.44.dev20260713+nightly
codegen_flags: <defaults>
</compile_context>

<pallas_src>
import functools

import jax
import jax.numpy as jnp
from jax import lax
from jax.experimental import pallas as pl
from jax.experimental.pallas import tpu as pltpu
from jax.experimental.pallas import tpu_sc as plsc

_NC = 2
_NS = 16
_NW = _NC * _NS
_B = 64
_CORE0_FRAC = 0.634


def _sc_body(src_hbm, dst_hbm, x_hbm, z128_hbm, zdeg_hbm, ones_hbm,
             g_out, d_out, src_v, dst_v, rows0_v, rows1_v, ones_v, dtmp_v,
             acc, deg, sem0, sem1,
             *, t0, t1, stripe):
    c = lax.axis_index("c")
    s = lax.axis_index("s")

    base = jnp.where(c == 0, s * t0, _NS * t0 + s * t1)
    pltpu.sync_copy(ones_hbm, ones_v)

    r0 = s * stripe
    pltpu.sync_copy(z128_hbm, rows0_v)
    for k in range(0, stripe, _B):
        sz = min(_B, stripe - k)
        pltpu.make_async_copy(rows0_v.at[pl.ds(0, sz)],
                              acc.at[pl.ds(r0 + k, sz)], sem0).start()
    for k in range(0, stripe, _B):
        sz = min(_B, stripe - k)
        pltpu.make_async_copy(rows0_v.at[pl.ds(0, sz)],
                              acc.at[pl.ds(r0 + k, sz)], sem0).wait()
    pltpu.sync_copy(zdeg_hbm, dtmp_v)
    pltpu.sync_copy(dtmp_v, deg.at[pl.ds(r0, stripe)])
    plsc.subcore_barrier()

    def fire(j, rows, sem):
        pltpu.make_async_copy(x_hbm.at[src_v.at[j]], rows, sem).start()

    def drain(j, rows, sem):
        pltpu.make_async_copy(x_hbm.at[src_v.at[j]], rows, sem).wait()
        pltpu.sync_copy(rows, acc.at[dst_v.at[j]], add=True)
        pltpu.sync_copy(ones_v, deg.at[dst_v.at[j]], add=True)

    def run_pipeline(nb):
        pltpu.sync_copy(src_hbm.at[pl.ds(base, nb)], src_v.at[pl.ds(0, nb)])
        pltpu.sync_copy(dst_hbm.at[pl.ds(base, nb)], dst_v.at[pl.ds(0, nb)])
        fire(0, rows0_v, sem0)
        fire(1, rows1_v, sem1)

        def body(i, carry):
            j = i * 2
            drain(j, rows0_v, sem0)
            fire(j + 2, rows0_v, sem0)
            drain(j + 1, rows1_v, sem1)
            fire(j + 3, rows1_v, sem1)
            return carry

        lax.fori_loop(0, nb // 2 - 1, body, 0)
        drain(nb - 2, rows0_v, sem0)
        drain(nb - 1, rows1_v, sem1)

    @pl.when(c == 0)
    def _():
        run_pipeline(t0)

    @pl.when(c == 1)
    def _():
        run_pipeline(t1)

    plsc.subcore_barrier()

    pltpu.sync_copy(acc.at[pl.ds(r0, stripe)], g_out.at[c, pl.ds(r0, stripe)])
    pltpu.sync_copy(deg.at[pl.ds(r0, stripe)], dtmp_v)
    pltpu.sync_copy(dtmp_v, d_out.at[pl.ds(c * (stripe * _NS) + r0, stripe)])


def _sc_aggregate(src2d, dst2d, x, npad, t0, t1):
    stripe = npad // _NS
    in_ch = x.shape[1]
    z128 = jnp.zeros((_B, in_ch), jnp.float32)
    zdeg = jnp.zeros((stripe,), jnp.float32)
    ones = jnp.ones((_B,), jnp.float32)

    mesh = plsc.VectorSubcoreMesh(core_axis_name="c", subcore_axis_name="s")
    body = functools.partial(_sc_body, t0=t0, t1=t1, stripe=stripe)
    run = pl.kernel(
        body,
        out_type=[
            jax.ShapeDtypeStruct((_NC, npad, in_ch), jnp.float32),
            jax.ShapeDtypeStruct((_NC * npad,), jnp.float32),
        ],
        mesh=mesh,
        compiler_params=pltpu.CompilerParams(use_tc_tiling_on_sc=False),
        scratch_types=[
            pltpu.VMEM((max(t0, t1), _B), jnp.int32),
            pltpu.VMEM((max(t0, t1), _B), jnp.int32),
            pltpu.VMEM((_B, in_ch), jnp.float32),
            pltpu.VMEM((_B, in_ch), jnp.float32),
            pltpu.VMEM((_B,), jnp.float32),
            pltpu.VMEM((npad // _NS,), jnp.float32),
            pltpu.VMEM_SHARED((npad, in_ch), jnp.float32),
            pltpu.VMEM_SHARED((npad,), jnp.float32),
            pltpu.SemaphoreType.DMA,
            pltpu.SemaphoreType.DMA,
        ],
    )
    return run(src2d, dst2d, x, z128, zdeg, ones)


def _tc_body(x_ref, g_ref, d_ref, w_ref, b_ref, o_ref):
    g = g_ref[0] + g_ref[1]
    deg = (d_ref[0] + d_ref[1])[:, None]
    mm = lax.dot_general(g, w_ref[...], (((1,), (1,)), ((), ())),
                         preferred_element_type=jnp.float32)
    num = mm + deg * b_ref[...]
    o_ref[...] = x_ref[...] + num / jnp.maximum(deg, 1.0)


def _tc_finish(x, g_parts, d_parts, W, b):
    n, in_ch = x.shape
    out_ch = W.shape[0]
    bn = 1024
    grid = (-(-n // bn),)
    return pl.pallas_call(
        _tc_body,
        grid=grid,
        in_specs=[
            pl.BlockSpec((bn, in_ch), lambda i: (i, 0)),
            pl.BlockSpec((_NC, bn, in_ch), lambda i: (0, i, 0)),
            pl.BlockSpec((_NC, bn), lambda i: (0, i)),
            pl.BlockSpec((out_ch, in_ch), lambda i: (0, 0)),
            pl.BlockSpec((1, out_ch), lambda i: (0, 0)),
        ],
        out_specs=pl.BlockSpec((bn, out_ch), lambda i: (i, 0)),
        out_shape=jax.ShapeDtypeStruct((n, out_ch), jnp.float32),
    )(x, g_parts, d_parts, W, b.reshape(1, out_ch))


def kernel(x, edge_index, W, b):
    n = x.shape[0]
    e = edge_index.shape[1]
    src = edge_index[0]
    dst = edge_index[1]

    tp = -(-e // (_NS * 2 * _B)) * 2
    t0 = max(2, 2 * int(round(tp * _CORE0_FRAC / 2)))
    t1 = tp - t0
    cap = _NS * tp * _B
    src_p = jnp.concatenate([src, jnp.zeros((cap - e,), jnp.int32)])
    dst_p = jnp.concatenate([dst, jnp.full((cap - e,), n, jnp.int32)])
    src2d = src_p.reshape(_NS * tp, _B)
    dst2d = dst_p.reshape(_NS * tp, _B)

    npad = -(-(n + 1) // (16 * 8)) * (16 * 8)

    g_parts, d_flat = _sc_aggregate(src2d, dst2d, x, npad, t0, t1)
    return _tc_finish(x, g_parts, d_flat.reshape(_NC, npad), W, b)

# --- scband reference (transcript-rebuilt; emitter-appended) ---
"""Pipeline reference for scband-mplayer-with-update-352187319162 (READ-ONLY COPY).

The authoritative reference and input builder live on the scoring server;
editing this copy changes nothing except your own understanding.
"""

import jax, jax.numpy as jnp
import numpy as np

N_NODES = 10000
N_EDGES = 320000
IN_CH = 128
OUT_CH = 128


def setup_inputs(seed: int = 0) -> dict:
    key = jax.random.key(seed)
    k1, k2, k3, k4 = jax.random.split(key, 4)
    x = jax.random.normal(k1, (N_NODES, IN_CH), dtype=jnp.float32)
    edge_index = jax.random.randint(k2, (2, N_EDGES), 0, N_NODES, dtype=jnp.int32)
    # Learned params of nn.Linear(in_ch, out_ch): weight [out_ch, in_ch], bias [out_ch]
    W = jax.random.normal(k3, (OUT_CH, IN_CH), dtype=jnp.float32) * (1.0 / np.sqrt(IN_CH))
    b = jax.random.normal(k4, (OUT_CH,), dtype=jnp.float32) * (1.0 / np.sqrt(IN_CH))
    return {"x": x, "edge_index": edge_index, "W": W, "b": b}


def reference(x, edge_index, W, b):
    src = edge_index[0]
    dst = edge_index[1]
    n = x.shape[0]
    # messages = msg_lin(x[src])
    messages = x[src] @ W.T + b
    # scatter_add into agg by dst
    agg = jax.ops.segment_sum(messages, dst, num_segments=n)
    # degree count via scatter_add of ones
    deg = jax.ops.segment_sum(jnp.ones(dst.shape[0], dtype=x.dtype), dst, num_segments=n)
    agg = agg / jnp.clip(deg, 1.0, None)[:, None]
    # update_fn(x, agg) = x + agg  (residual update)
    return x + agg

if __name__ == "__main__":
    import jax
    _d = setup_inputs()
    print(jax.jit(kernel)(*tuple(_d.values())))

</pallas_src>

<mosaic_0001>
#map = affine_map<(d0, d1) -> (0, 0)>
#map1 = affine_map<(d0, d1) -> (0)>
#map2 = affine_map<(d0, d1) -> (0, 0, 0)>
module attributes {stable_mosaic.version = 14 : i64} {
  func.func @_sc_body(%arg0: i32, %arg1: i32, %arg2: memref<5024x64xi32, #tpu.memory_space<hbm>>, %arg3: memref<5024x64xi32, #tpu.memory_space<hbm>>, %arg4: memref<10000x128xf32, #tpu.memory_space<hbm>>, %arg5: memref<64x128xf32, #tpu.memory_space<hbm>>, %arg6: memref<632xf32, #tpu.memory_space<hbm>>, %arg7: memref<64xf32, #tpu.memory_space<hbm>>, %arg8: memref<2x10112x128xf32, #tpu.memory_space<hbm>>, %arg9: memref<20224xf32, #tpu.memory_space<hbm>>, %arg10: memref<200x64xi32, #tpu.memory_space<vmem>>, %arg11: memref<200x64xi32, #tpu.memory_space<vmem>>, %arg12: memref<64x128xf32, #tpu.memory_space<vmem>>, %arg13: memref<64x128xf32, #tpu.memory_space<vmem>>, %arg14: memref<64xf32, #tpu.memory_space<vmem>>, %arg15: memref<632xf32, #tpu.memory_space<vmem>>, %arg16: memref<10112x128xf32, #tpu.memory_space<vmem_shared>>, %arg17: memref<10112xf32, #tpu.memory_space<vmem_shared>>, %arg18: memref<!tpu.dma_semaphore, #tpu.memory_space<semaphore_mem>>, %arg19: memref<!tpu.dma_semaphore, #tpu.memory_space<semaphore_mem>>) attributes {dimension_semantics = [#tpu.dimension_semantics<core_parallel>, #tpu.dimension_semantics<subcore_parallel>], iteration_bounds = array<i64: 2, 16>, scalar_prefetch = 0 : i64, scratch_operands = 10 : i64, tpu.core_type = #tpu.core_type<sc_vector_subcore>, window_params = [{transform_indices = #map}, {transform_indices = #map}, {transform_indices = #map}, {transform_indices = #map}, {transform_indices = #map1}, {transform_indices = #map1}, {transform_indices = #map2}, {transform_indices = #map1}]} {
    %eq3A = arith.constant 0 : i32
    %eq3A_0 = arith.cmpi eq, %arg0, %eq3A : i32
    %mul3A = arith.constant 200 : i32
    %mul3A_1 = arith.muli %arg1, %mul3A : i32
    %mul3A_2 = arith.constant 114 : i32
    %mul3A_3 = arith.muli %arg1, %mul3A_2 : i32
    %add3A = arith.constant 3200 : i32
    %add3A_4 = arith.addi %add3A, %mul3A_3 : i32
    %select_n3A = arith.select %eq3A_0, %mul3A_1, %add3A_4 : i32
    "tpu.region"() ({
      %run_scoped3A = tpu.sem_alloc : memref<!tpu.dma_semaphore, #tpu.memory_space<semaphore_mem>>
      tpu.enqueue_dma source(%arg7 : memref<64xf32, #tpu.memory_space<hbm>>) target(%arg14 : memref<64xf32, #tpu.memory_space<vmem>>) target_semaphore(%run_scoped3A : memref<!tpu.dma_semaphore, #tpu.memory_space<semaphore_mem>>)
      tpu.wait_dma2 semaphore(%run_scoped3A : memref<!tpu.dma_semaphore, #tpu.memory_space<semaphore_mem>>) src(%arg7 : memref<64xf32, #tpu.memory_space<hbm>>) dst(%arg14 : memref<64xf32, #tpu.memory_space<vmem>>)
      tpu.yield
    }) : () -> ()
    %mul3A_5 = arith.constant 632 : i32
    %mul3A_6 = arith.muli %arg1, %mul3A_5 : i32
    "tpu.region"() ({
      %run_scoped3A = tpu.sem_alloc : memref<!tpu.dma_semaphore, #tpu.memory_space<semaphore_mem>>
      tpu.enqueue_dma source(%arg5 : memref<64x128xf32, #tpu.memory_space<hbm>>) target(%arg12 : memref<64x128xf32, #tpu.memory_space<vmem>>) target_semaphore(%run_scoped3A : memref<!tpu.dma_semaphore, #tpu.memory_space<semaphore_mem>>)
      tpu.wait_dma2 semaphore(%run_scoped3A : memref<!tpu.dma_semaphore, #tpu.memory_space<semaphore_mem>>) src(%arg5 : memref<64x128xf32, #tpu.memory_space<hbm>>) dst(%arg12 : memref<64x128xf32, #tpu.memory_space<vmem>>)
      tpu.yield
    }) : () -> ()
    %add3A_7 = arith.constant 0 : i32
    %add3A_8 = arith.addi %mul3A_6, %add3A_7 : i32
    %dma_start3A = arith.constant 0 : i32
    %dma_start3A_9 = arith.constant 0 : i32
    %dma_start3A_10 = tpu.memref_slice %arg12[%dma_start3A, %dma_start3A_9] : memref<64x128xf32, #tpu.memory_space<vmem>> -> memref<64x128xf32, #tpu.memory_space<vmem>>
    %dma_start3A_11 = arith.constant 0 : i32
    %dma_start3A_12 = tpu.memref_slice %arg16[%add3A_8, %dma_start3A_11] : memref<10112x128xf32, #tpu.memory_space<vmem_shared>> -> memref<64x128xf32, #tpu.memory_space<vmem_shared>>
    %dma_start3A_13 = arith.constant 0 : i32
    %dma_start3A_14 = tpu.memref_slice %arg16[%add3A_8, %dma_start3A_13] : memref<10112x128xf32, #tpu.memory_space<vmem_shared>> -> memref<64x128xf32, #tpu.memory_space<vmem_shared>>
    %dma_start3A_15 = arith.constant 0 : i32
    %dma_start3A_16 = arith.constant 0 : i32
    %dma_start3A_17 = tpu.memref_slice %arg12[%dma_start3A_15, %dma_start3A_16] : memref<64x128xf32, #tpu.memory_space<vmem>> -> memref<64x128xf32, #tpu.memory_space<vmem>>
    tpu.enqueue_dma source(%dma_start3A_17 : memref<64x128xf32, #tpu.memory_space<vmem>>) target(%dma_start3A_14 : memref<64x128xf32, #tpu.memory_space<vmem_shared>>) target_semaphore(%arg18 : memref<!tpu.dma_semaphore, #tpu.memory_space<semaphore_mem>>)
    %add3A_18 = arith.constant 64 : i32
    %add3A_19 = arith.addi %mul3A_6, %add3A_18 : i32
    %dma_start3A_20 = arith.constant 0 : i32
    %dma_start3A_21 = arith.constant 0 : i32
    %dma_start3A_22 = tpu.memref_slice %arg12[%dma_start3A_20, %dma_start3A_21] : memref<64x128xf32, #tpu.memory_space<vmem>> -> memref<64x128xf32, #tpu.memory_space<vmem>>
    %dma_start3A_23 = arith.constant 0 : i32
    %dma_start3A_24 = tpu.memref_slice %arg16[%add3A_19, %dma_start3A_23] : memref<10112x128xf32, #tpu.memory_space<vmem_shared>> -> memref<64x128xf32, #tpu.memory_space<vmem_shared>>
    %dma_start3A_25 = arith.constant 0 : i32
    %dma_start3A_26 = tpu.memref_slice %arg16[%add3A_19, %dma_start3A_25] : memref<10112x128xf32, #tpu.memory_space<vmem_shared>> -> memref<64x128xf32, #tpu.memory_space<vmem_shared>>
    %dma_start3A_27 = arith.constant 0 : i32
    %dma_start3A_28 = arith.constant 0 : i32
    %dma_start3A_29 = tpu.memref_slice %arg12[%dma_start3A_27, %dma_start3A_28] : memref<64x128xf32, #tpu.memory_space<vmem>> -> memref<64x128xf32, #tpu.memory_space<vmem>>
    tpu.enqueue_dma source(%dma_start3A_29 : memref<64x128xf32, #tpu.memory_space<vmem>>) target(%dma_start3A_26 : memref<64x128xf32, #tpu.memory_space<vmem_shared>>) target_semaphore(%arg18 : memref<!tpu.dma_semaphore, #tpu.memory_space<semaphore_mem>>)
    %add3A_30 = arith.constant 128 : i32
    %add3A_31 = arith.addi %mul3A_6, %add3A_30 : i32
    %dma_start3A_32 = arith.constant 0 : i32
    %dma_start3A_33 = arith.constant 0 : i32
    %dma_start3A_34 = tpu.memref_slice %arg12[%dma_start3A_32, %dma_start3A_33] : memref<64x128xf32, #tpu.memory_space<vmem>> -> memref<64x128xf32, #tpu.memory_space<vmem>>
    %dma_start3A_35 = arith.constant 0 : i32
    %dma_start3A_36 = tpu.memref_slice %arg16[%add3A_31, %dma_start3A_35] : memref<10112x128xf32, #tpu.memory_space<vmem_shared>> -> memref<64x128xf32, #tpu.memory_space<vmem_shared>>
    %dma_start3A_37 = arith.constant 0 : i32
    %dma_start3A_38 = tpu.memref_slice %arg16[%add3A_31, %dma_start3A_37] : memref<10112x128xf32, #tpu.memory_space<vmem_shared>> -> memref<64x128xf32, #tpu.memory_space<vmem_shared>>
    %dma_start3A_39 = arith.constant 0 : i32
    %dma_start3A_40 = arith.constant 0 : i32
    %dma_start3A_41 = tpu.memref_slice %arg12[%dma_start3A_39, %dma_start3A_40] : memref<64x128xf32, #tpu.memory_space<vmem>> -> memref<64x128xf32, #tpu.memory_space<vmem>>
    tpu.enqueue_dma source(%dma_start3A_41 : memref<64x128xf32, #tpu.memory_space<vmem>>) target(%dma_start3A_38 : memref<64x128xf32, #tpu.memory_space<vmem_shared>>) target_semaphore(%arg18 : memref<!tpu.dma_semaphore, #tpu.memory_space<semaphore_mem>>)
    %add3A_42 = arith.constant 192 : i32
    %add3A_43 = arith.addi %mul3A_6, %add3A_42 : i32
    %dma_start3A_44 = arith.constant 0 : i32
    %dma_start3A_45 = arith.constant 0 : i32
    %dma_start3A_46 = tpu.memref_slice %arg12[%dma_start3A_44, %dma_start3A_45] : memref<64x128xf32, #tpu.memory_space<vmem>> -> memref<64x128xf32, #tpu.memory_space<vmem>>
    %dma_start3A_47 = arith.constant 0 : i32
    %dma_start3A_48 = tpu.memref_slice %arg16[%add3A_43, %dma_start3A_47] : memref<10112x128xf32, #tpu.memory_space<vmem_shared>> -> memref<64x128xf32, #tpu.memory_space<vmem_shared>>
    %dma_start3A_49 = arith.constant 0 : i32
    %dma_start3A_50 = tpu.memref_slice %arg16[%add3A_43, %dma_start3A_49] : memref<10112x128xf32, #tpu.memory_space<vmem_shared>> -> memref<64x128xf32, #tpu.memory_space<vmem_shared>>
    %dma_start3A_51 = arith.constant 0 : i32
    %dma_start3A_52 = arith.constant 0 : i32
    %dma_start3A_53 = tpu.memref_slice %arg12[%dma_start3A_51, %dma_start3A_52] : memref<64x128xf32, #tpu.memory_space<vmem>> -> memref<64x128xf32, #tpu.memory_space<vmem>>
    tpu.enqueue_dma source(%dma_start3A_53 : memref<64x128xf32, #tpu.memory_space<vmem>>) target(%dma_start3A_50 : memref<64x128xf32, #tpu.memory_space<vmem_shared>>) target_semaphore(%arg18 : memref<!tpu.dma_semaphore, #tpu.memory_space<semaphore_mem>>)
    %add3A_54 = arith.constant 256 : i32
    %add3A_55 = arith.addi %mul3A_6, %add3A_54 : i32
    %dma_start3A_56 = arith.constant 0 : i32
    %dma_start3A_57 = arith.constant 0 : i32
    %dma_start3A_58 = tpu.memref_slice %arg12[%dma_start3A_56, %dma_start3A_57] : memref<64x128xf32, #tpu.memory_space<vmem>> -> memref<64x128xf32, #tpu.memory_space<vmem>>
    %dma_start3A_59 = arith.constant 0 : i32
    %dma_start3A_60 = tpu.memref_slice %arg16[%add3A_55, %dma_start3A_59] : memref<10112x128xf32, #tpu.memory_space<vmem_shared>> -> memref<64x128xf32, #tpu.memory_space<vmem_shared>>
    %dma_start3A_61 = arith.constant 0 : i32
    %dma_start3A_62 = tpu.memref_slice %arg16[%add3A_55, %dma_start3A_61] : memref<10112x128xf32, #tpu.memory_space<vmem_shared>> -> memref<64x128xf32, #tpu.memory_space<vmem_shared>>
    %dma_start3A_63 = arith.constant 0 : i32
    %dma_start3A_64 = arith.constant 0 : i32
    %dma_start3A_65 = tpu.memref_slice %arg12[%dma_start3A_63, %dma_start3A_64] : memref<64x128xf32, #tpu.memory_space<vmem>> -> memref<64x128xf32, #tpu.memory_space<vmem>>
    tpu.enqueue_dma source(%dma_start3A_65 : memref<64x128xf32, #tpu.memory_space<vmem>>) target(%dma_start3A_62 : memref<64x128xf32, #tpu.memory_space<vmem_shared>>) target_semaphore(%arg18 : memref<!tpu.dma_semaphore, #tpu.memory_space<semaphore_mem>>)
    %add3A_66 = arith.constant 320 : i32
    %add3A_67 = arith.addi %mul3A_6, %add3A_66 : i32
    %dma_start3A_68 = arith.constant 0 : i32
    %dma_start3A_69 = arith.constant 0 : i32
    %dma_start3A_70 = tpu.memref_slice %arg12[%dma_start3A_68, %dma_start3A_69] : memref<64x128xf32, #tpu.memory_space<vmem>> -> memref<64x128xf32, #tpu.memory_space<vmem>>
    %dma_start3A_71 = arith.constant 0 : i32
    %dma_start3A_72 = tpu.memref_slice %arg16[%add3A_67, %dma_start3A_71] : memref<10112x128xf32, #tpu.memory_space<vmem_shared>> -> memref<64x128xf32, #tpu.memory_space<vmem_shared>>
    %dma_start3A_73 = arith.constant 0 : i32
    %dma_start3A_74 = tpu.memref_slice %arg16[%add3A_67, %dma_start3A_73] : memref<10112x128xf32, #tpu.memory_space<vmem_shared>> -> memref<64x128xf32, #tpu.memory_space<vmem_shared>>
    %dma_start3A_75 = arith.constant 0 : i32
    %dma_start3A_76 = arith.constant 0 : i32
    %dma_start3A_77 = tpu.memref_slice %arg12[%dma_start3A_75, %dma_start3A_76] : memref<64x128xf32, #tpu.memory_space<vmem>> -> memref<64x128xf32, #tpu.memory_space<vmem>>
    tpu.enqueue_dma source(%dma_start3A_77 : memref<64x128xf32, #tpu.memory_space<vmem>>) target(%dma_start3A_74 : memref<64x128xf32, #tpu.memory_space<vmem_shared>>) target_semaphore(%arg18 : memref<!tpu.dma_semaphore, #tpu.memory_space<semaphore_mem>>)
    %add3A_78 = arith.constant 384 : i32
    %add3A_79 = arith.addi %mul3A_6, %add3A_78 : i32
    %dma_start3A_80 = arith.constant 0 : i32
    %dma_start3A_81 = arith.constant 0 : i32
    %dma_start3A_82 = tpu.memref_slice %arg12[%dma_start3A_80, %dma_start3A_81] : memref<64x128xf32, #tpu.memory_space<vmem>> -> memref<64x128xf32, #tpu.memory_space<vmem>>
    %dma_start3A_83 = arith.constant 0 : i32
    %dma_start3A_84 = tpu.memref_slice %arg16[%add3A_79, %dma_start3A_83] : memref<10112x128xf32, #tpu.memory_space<vmem_shared>> -> memref<64x128xf32, #tpu.memory_space<vmem_shared>>
    %dma_start3A_85 = arith.constant 0 : i32
    %dma_start3A_86 = tpu.memref_slice %arg16[%add3A_79, %dma_start3A_85] : memref<10112x128xf32, #tpu.memory_space<vmem_shared>> -> memref<64x128xf32, #tpu.memory_space<vmem_shared>>
    %dma_start3A_87 = arith.constant 0 : i32
    %dma_start3A_88 = arith.constant 0 : i32
    %dma_start3A_89 = tpu.memref_slice %arg12[%dma_start3A_87, %dma_start3A_88] : memref<64x128xf32, #tpu.memory_space<vmem>> -> memref<64x128xf32, #tpu.memory_space<vmem>>
    tpu.enqueue_dma source(%dma_start3A_89 : memref<64x128xf32, #tpu.memory_space<vmem>>) target(%dma_start3A_86 : memref<64x128xf32, #tpu.memory_space<vmem_shared>>) target_semaphore(%arg18 : memref<!tpu.dma_semaphore, #tpu.memory_space<semaphore_mem>>)
    %add3A_90 = arith.constant 448 : i32
    %add3A_91 = arith.addi %mul3A_6, %add3A_90 : i32
    %dma_start3A_92 = arith.constant 0 : i32
    %dma_start3A_93 = arith.constant 0 : i32
    %dma_start3A_94 = tpu.memref_slice %arg12[%dma_start3A_92, %dma_start3A_93] : memref<64x128xf32, #tpu.memory_space<vmem>> -> memref<64x128xf32, #tpu.memory_space<vmem>>
    %dma_start3A_95 = arith.constant 0 : i32
    %dma_start3A_96 = tpu.memref_slice %arg16[%add3A_91, %dma_start3A_95] : memref<10112x128xf32, #tpu.memory_space<vmem_shared>> -> memref<64x128xf32, #tpu.memory_space<vmem_shared>>
    %dma_start3A_97 = arith.constant 0 : i32
    %dma_start3A_98 = tpu.memref_slice %arg16[%add3A_91, %dma_start3A_97] : memref<10112x128xf32, #tpu.memory_space<vmem_shared>> -> memref<64x128xf32, #tpu.memory_space<vmem_shared>>
    %dma_start3A_99 = arith.constant 0 : i32
    %dma_start3A_100 = arith.constant 0 : i32
    %dma_start3A_101 = tpu.memref_slice %arg12[%dma_start3A_99, %dma_start3A_100] : memref<64x128xf32, #tpu.memory_space<vmem>> -> memref<64x128xf32, #tpu.memory_space<vmem>>
    tpu.enqueue_dma source(%dma_start3A_101 : memref<64x128xf32, #tpu.memory_space<vmem>>) target(%dma_start3A_98 : memref<64x128xf32, #tpu.memory_space<vmem_shared>>) target_semaphore(%arg18 : memref<!tpu.dma_semaphore, #tpu.memory_space<semaphore_mem>>)
    %add3A_102 = arith.constant 512 : i32
    %add3A_103 = arith.addi %mul3A_6, %add3A_102 : i32
    %dma_start3A_104 = arith.constant 0 : i32
    %dma_start3A_105 = arith.constant 0 : i32
    %dma_start3A_106 = tpu.memref_slice %arg12[%dma_start3A_104, %dma_start3A_105] : memref<64x128xf32, #tpu.memory_space<vmem>> -> memref<64x128xf32, #tpu.memory_space<vmem>>
    %dma_start3A_107 = arith.constant 0 : i32
    %dma_start3A_108 = tpu.memref_slice %arg16[%add3A_103, %dma_start3A_107] : memref<10112x128xf32, #tpu.memory_space<vmem_shared>> -> memref<64x128xf32, #tpu.memory_space<vmem_shared>>
    %dma_start3A_109 = arith.constant 0 : i32
    %dma_start3A_110 = tpu.memref_slice %arg16[%add3A_103, %dma_start3A_109] : memref<10112x128xf32, #tpu.memory_space<vmem_shared>> -> memref<64x128xf32, #tpu.memory_space<vmem_shared>>
    %dma_start3A_111 = arith.constant 0 : i32
    %dma_start3A_112 = arith.constant 0 : i32
    %dma_start3A_113 = tpu.memref_slice %arg12[%dma_start3A_111, %dma_start3A_112] : memref<64x128xf32, #tpu.memory_space<vmem>> -> memref<64x128xf32, #tpu.memory_space<vmem>>
    tpu.enqueue_dma source(%dma_start3A_113 : memref<64x128xf32, #tpu.memory_space<vmem>>) target(%dma_start3A_110 : memref<64x128xf32, #tpu.memory_space<vmem_shared>>) target_semaphore(%arg18 : memref<!tpu.dma_semaphore, #tpu.memory_space<semaphore_mem>>)
    %add3A_114 = arith.constant 576 : i32
    %add3A_115 = arith.addi %mul3A_6, %add3A_114 : i32
    %dma_start3A_116 = arith.constant 0 : i32
    %dma_start3A_117 = arith.constant 0 : i32
    %dma_start3A_118 = tpu.memref_slice %arg12[%dma_start3A_116, %dma_start3A_117] : memref<64x128xf32, #tpu.memory_space<vmem>> -> memref<56x128xf32, #tpu.memory_space<vmem>>
    %dma_start3A_119 = arith.constant 0 : i32
    %dma_start3A_120 = tpu.memref_slice %arg16[%add3A_115, %dma_start3A_119] : memref<10112x128xf32, #tpu.memory_space<vmem_shared>> -> memref<56x128xf32, #tpu.memory_space<vmem_shared>>
    %dma_start3A_121 = arith.constant 0 : i32
    %dma_start3A_122 = tpu.memref_slice %arg16[%add3A_115, %dma_start3A_121] : memref<10112x128xf32, #tpu.memory_space<vmem_shared>> -> memref<56x128xf32, #tpu.memory_space<vmem_shared>>
    %dma_start3A_123 = arith.constant 0 : i32
    %dma_start3A_124 = arith.constant 0 : i32
    %dma_start3A_125 = tpu.memref_slice %arg12[%dma_start3A_123, %dma_start3A_124] : memref<64x128xf32, #tpu.memory_space<vmem>> -> memref<56x128xf32, #tpu.memory_space<vmem>>
    tpu.enqueue_dma source(%dma_start3A_125 : memref<56x128xf32, #tpu.memory_space<vmem>>) target(%dma_start3A_122 : memref<56x128xf32, #tpu.memory_space<vmem_shared>>) target_semaphore(%arg18 : memref<!tpu.dma_semaphore, #tpu.memory_space<semaphore_mem>>)
    %add3A_126 = arith.constant 0 : i32
    %add3A_127 = arith.addi %mul3A_6, %add3A_126 : i32
    %dma_wait3A = arith.constant 0 : i32
    %dma_wait3A_128 = arith.constant 0 : i32
    %dma_wait3A_129 = tpu.memref_slice %arg12[%dma_wait3A, %dma_wait3A_128] : memref<64x128xf32, #tpu.memory_space<vmem>> -> memref<64x128xf32, #tpu.memory_space<vmem>>
    %dma_wait3A_130 = arith.constant 0 : i32
    %dma_wait3A_131 = tpu.memref_slice %arg16[%add3A_127, %dma_wait3A_130] : memref<10112x128xf32, #tpu.memory_space<vmem_shared>> -> memref<64x128xf32, #tpu.memory_space<vmem_shared>>
    %dma_wait3A_132 = arith.constant 0 : i32
    %dma_wait3A_133 = tpu.memref_slice %arg16[%add3A_127, %dma_wait3A_132] : memref<10112x128xf32, #tpu.memory_space<vmem_shared>> -> memref<64x128xf32, #tpu.memory_space<vmem_shared>>
    %dma_wait3A_134 = arith.constant 0 : i32
    %dma_wait3A_135 = arith.constant 0 : i32
    %dma_wait3A_136 = tpu.memref_slice %arg12[%dma_wait3A_134, %dma_wait3A_135] : memref<64x128xf32, #tpu.memory_space<vmem>> -> memref<64x128xf32, #tpu.memory_space<vmem>>
    tpu.wait_dma2 semaphore(%arg18 : memref<!tpu.dma_semaphore, #tpu.memory_space<semaphore_mem>>) src(%dma_wait3A_136 : memref<64x128xf32, #tpu.memory_space<vmem>>) dst(%dma_wait3A_133 : memref<64x128xf32, #tpu.memory_space<vmem_shared>>)
    %add3A_137 = arith.constant 64 : i32
    %add3A_138 = arith.addi %mul3A_6, %add3A_137 : i32
    %dma_wait3A_139 = arith.constant 0 : i32
    %dma_wait3A_140 = arith.constant 0 : i32
    %dma_wait3A_141 = tpu.memref_slice %arg12[%dma_wait3A_139, %dma_wait3A_140] : memref<64x128xf32, #tpu.memory_space<vmem>> -> memref<64x128xf32, #tpu.memory_space<vmem>>
    %dma_wait3A_142 = arith.constant 0 : i32
    %dma_wait3A_143 = tpu.memref_slice %arg16[%add3A_138, %dma_wait3A_142] : memref<10112x128xf32, #tpu.memory_space<vmem_shared>> -> memref<64x128xf32, #tpu.memory_space<vmem_shared>>
    %dma_wait3A_144 = arith.constant 0 : i32
    %dma_wait3A_145 = tpu.memref_slice %arg16[%add3A_138, %dma_wait3A_144] : memref<10112x128xf32, #tpu.memory_space<vmem_shared>> -> memref<64x128xf32, #tpu.memory_space<vmem_shared>>
    %dma_wait3A_146 = arith.constant 0 : i32
    %dma_wait3A_147 = arith.constant 0 : i32
    %dma_wait3A_148 = tpu.memref_slice %arg12[%dma_wait3A_146, %dma_wait3A_147] : memref<64x128xf32, #tpu.memory_space<vmem>> -> memref<64x128xf32, #tpu.memory_space<vmem>>
    tpu.wait_dma2 semaphore(%arg18 : memref<!tpu.dma_semaphore, #tpu.memory_space<semaphore_mem>>) src(%dma_wait3A_148 : memref<64x128xf32, #tpu.memory_space<vmem>>) dst(%dma_wait3A_145 : memref<64x128xf32, #tpu.memory_space<vmem_shared>>)
    %add3A_149 = arith.constant 128 : i32
    %add3A_150 = arith.addi %mul3A_6, %add3A_149 : i32
    %dma_wait3A_151 = arith.constant 0 : i32
    %dma_wait3A_152 = arith.constant 0 : i32
    %dma_wait3A_153 = tpu.memref_slice %arg12[%dma_wait3A_151, %dma_wait3A_152] : memref<64x128xf32, #tpu.memory_space<vmem>> -> memref<64x128xf32, #tpu.memory_space<vmem>>
    %dma_wait3A_154 = arith.constant 0 : i32
    %dma_wait3A_155 = tpu.memref_slice %arg16[%add3A_150, %dma_wait3A_154] : memref<10112x128xf32, #tpu.memory_space<vmem_shared>> -> memref<64x128xf32, #tpu.memory_space<vmem_shared>>
    %dma_wait3A_156 = arith.constant 0 : i32
    %dma_wait3A_157 = tpu.memref_slice %arg16[%add3A_150, %dma_wait3A_156] : memref<10112x128xf32, #tpu.memory_space<vmem_shared>> -> memref<64x128xf32, #tpu.memory_space<vmem_shared>>
    %dma_wait3A_158 = arith.constant 0 : i32
    %dma_wait3A_159 = arith.constant 0 : i32
    %dma_wait3A_160 = tpu.memref_slice %arg12[%dma_wait3A_158, %dma_wait3A_159] : memref<64x128xf32, #tpu.memory_space<vmem>> -> memref<64x128xf32, #tpu.memory_space<vmem>>
    tpu.wait_dma2 semaphore(%arg18 : memref<!tpu.dma_semaphore, #tpu.memory_space<semaphore_mem>>) src(%dma_wait3A_160 : memref<64x128xf32, #tpu.memory_space<vmem>>) dst(%dma_wait3A_157 : memref<64x128xf32, #tpu.memory_space<vmem_shared>>)
    %add3A_161 = arith.constant 192 : i32
    %add3A_162 = arith.addi %mul3A_6, %add3A_161 : i32
    %dma_wait3A_163 = arith.constant 0 : i32
    %dma_wait3A_164 = arith.constant 0 : i32
    %dma_wait3A_165 = tpu.memref_slice %arg12[%dma_wait3A_163, %dma_wait3A_164] : memref<64x128xf32, #tpu.memory_space<vmem>> -> memref<64x128xf32, #tpu.memory_space<vmem>>
    %dma_wait3A_166 = arith.constant 0 : i32
    %dma_wait3A_167 = tpu.memref_slice %arg16[%add3A_162, %dma_wait3A_166] : memref<10112x128xf32, #tpu.memory_space<vmem_shared>> -> memref<64x128xf32, #tpu.memory_space<vmem_shared>>
    %dma_wait3A_168 = arith.constant 0 : i32
    %dma_wait3A_169 = tpu.memref_slice %arg16[%add3A_162, %dma_wait3A_168] : memref<10112x128xf32, #tpu.memory_space<vmem_shared>> -> memref<64x128xf32, #tpu.memory_space<vmem_shared>>
    %dma_wait3A_170 = arith.constant 0 : i32
    %dma_wait3A_171 = arith.constant 0 : i32
    %dma_wait3A_172 = tpu.memref_slice %arg12[%dma_wait3A_170, %dma_wait3A_171] : memref<64x128xf32, #tpu.memory_space<vmem>> -> memref<64x128xf32, #tpu.memory_space<vmem>>
    tpu.wait_dma2 semaphore(%arg18 : memref<!tpu.dma_semaphore, #tpu.memory_space<semaphore_mem>>) src(%dma_wait3A_172 : memref<64x128xf32, #tpu.memory_space<vmem>>) dst(%dma_wait3A_169 : memref<64x128xf32, #tpu.memory_space<vmem_shared>>)
    %add3A_173 = arith.constant 256 : i32
    %add3A_174 = arith.addi %mul3A_6, %add3A_173 : i32
    %dma_wait3A_175 = arith.constant 0 : i32
    %dma_wait3A_176 = arith.constant 0 : i32
    %dma_wait3A_177 = tpu.memref_slice %arg12[%dma_wait3A_175, %dma_wait3A_176] : memref<64x128xf32, #tpu.memory_space<vmem>> -> memref<64x128xf32, #tpu.memory_space<vmem>>
    %dma_wait3A_178 = arith.constant 0 : i32
    %dma_wait3A_179 = tpu.memref_slice %arg16[%add3A_174, %dma_wait3A_178] : memref<10112x128xf32, #tpu.memory_space<vmem_shared>> -> memref<64x128xf32, #tpu.memory_space<vmem_shared>>
    %dma_wait3A_180 = arith.constant 0 : i32
    %dma_wait3A_181 = tpu.memref_slice %arg16[%add3A_174, %dma_wait3A_180] : memref<10112x128xf32, #tpu.memory_space<vmem_shared>> -> memref<64x128xf32, #tpu.memory_space<vmem_shared>>
    %dma_wait3A_182 = arith.constant 0 : i32
    %dma_wait3A_183 = arith.constant 0 : i32
    %dma_wait3A_184 = tpu.memref_slice %arg12[%dma_wait3A_182, %dma_wait3A_183] : memref<64x128xf32, #tpu.memory_space<vmem>> -> memref<64x128xf32, #tpu.memory_space<vmem>>
    tpu.wait_dma2 semaphore(%arg18 : memref<!tpu.dma_semaphore, #tpu.memory_space<semaphore_mem>>) src(%dma_wait3A_184 : memref<64x128xf32, #tpu.memory_space<vmem>>) dst(%dma_wait3A_181 : memref<64x128xf32, #tpu.memory_space<vmem_shared>>)
    %add3A_185 = arith.constant 320 : i32
    %add3A_186 = arith.addi %mul3A_6, %add3A_185 : i32
    %dma_wait3A_187 = arith.constant 0 : i32
    %dma_wait3A_188 = arith.constant 0 : i32
    %dma_wait3A_189 = tpu.memref_slice %arg12[%dma_wait3A_187, %dma_wait3A_188] : memref<64x128xf32, #tpu.memory_space<vmem>> -> memref<64x128xf32, #tpu.memory_space<vmem>>
    %dma_wait3A_190 = arith.constant 0 : i32
    %dma_wait3A_191 = tpu.memref_slice %arg16[%add3A_186, %dma_wait3A_190] : memref<10112x128xf32, #tpu.memory_space<vmem_shared>> -> memref<64x128xf32, #tpu.memory_space<vmem_shared>>
    %dma_wait3A_192 = arith.constant 0 : i32
    %dma_wait3A_193 = tpu.memref_slice %arg16[%add3A_186, %dma_wait3A_192] : memref<10112x128xf32, #tpu.memory_space<vmem_shared>> -> memref<64x128xf32, #tpu.memory_space<vmem_shared>>
    %dma_wait3A_194 = arith.constant 0 : i32
    %dma_wait3A_195 = arith.constant 0 : i32
    %dma_wait3A_196 = tpu.memref_slice %arg12[%dma_wait3A_194, %dma_wait3A_195] : memref<64x128xf32, #tpu.memory_space<vmem>> -> memref<64x128xf32, #tpu.memory_space<vmem>>
    tpu.wait_dma2 semaphore(%arg18 : memref<!tpu.dma_semaphore, #tpu.memory_space<semaphore_mem>>) src(%dma_wait3A_196 : memref<64x128xf32, #tpu.memory_space<vmem>>) dst(%dma_wait3A_193 : memref<64x128xf32, #tpu.memory_space<vmem_shared>>)
    %add3A_197 = arith.constant 384 : i32
    %add3A_198 = arith.addi %mul3A_6, %add3A_197 : i32
    %dma_wait3A_199 = arith.constant 0 : i32
    %dma_wait3A_200 = arith.constant 0 : i32
    %dma_wait3A_201 = tpu.memref_slice %arg12[%dma_wait3A_199, %dma_wait3A_200] : memref<64x128xf32, #tpu.memory_space<vmem>> -> memref<64x128xf32, #tpu.memory_space<vmem>>
    %dma_wait3A_202 = arith.constant 0 : i32
    %dma_wait3A_203 = tpu.memref_slice %arg16[%add3A_198, %dma_wait3A_202] : memref<10112x128xf32, #tpu.memory_space<vmem_shared>> -> memref<64x128xf32, #tpu.memory_space<vmem_shared>>
    %dma_wait3A_204 = arith.constant 0 : i32
    %dma_wait3A_205 = tpu.memref_slice %arg16[%add3A_198, %dma_wait3A_204] : memref<10112x128xf32, #tpu.memory_space<vmem_shared>> -> memref<64x128xf32, #tpu.memory_space<vmem_shared>>
    %dma_wait3A_206 = arith.constant 0 : i32
    %dma_wait3A_207 = arith.constant 0 : i32
    %dma_wait3A_208 = tpu.memref_slice %arg12[%dma_wait3A_206, %dma_wait3A_207] : memref<64x128xf32, #tpu.memory_space<vmem>> -> memref<64x128xf32, #tpu.memory_space<vmem>>
    tpu.wait_dma2 semaphore(%arg18 : memref<!tpu.dma_semaphore, #tpu.memory_space<semaphore_mem>>) src(%dma_wait3A_208 : memref<64x128xf32, #tpu.memory_space<vmem>>) dst(%dma_wait3A_205 : memref<64x128xf32, #tpu.memory_space<vmem_shared>>)
    %add3A_209 = arith.constant 448 : i32
    %add3A_210 = arith.addi %mul3A_6, %add3A_209 : i32
    %dma_wait3A_211 = arith.constant 0 : i32
    %dma_wait3A_212 = arith.constant 0 : i32
    %dma_wait3A_213 = tpu.memref_slice %arg12[%dma_wait3A_211, %dma_wait3A_212] : memref<64x128xf32, #tpu.memory_space<vmem>> -> memref<64x128xf32, #tpu.memory_space<vmem>>
    %dma_wait3A_214 = arith.constant 0 : i32
    %dma_wait3A_215 = tpu.memref_slice %arg16[%add3A_210, %dma_wait3A_214] : memref<10112x128xf32, #tpu.memory_space<vmem_shared>> -> memref<64x128xf32, #tpu.memory_space<vmem_shared>>
    %dma_wait3A_216 = arith.constant 0 : i32
    %dma_wait3A_217 = tpu.memref_slice %arg16[%add3A_210, %dma_wait3A_216] : memref<10112x128xf32, #tpu.memory_space<vmem_shared>> -> memref<64x128xf32, #tpu.memory_space<vmem_shared>>
    %dma_wait3A_218 = arith.constant 0 : i32
    %dma_wait3A_219 = arith.constant 0 : i32
    %dma_wait3A_220 = tpu.memref_slice %arg12[%dma_wait3A_218, %dma_wait3A_219] : memref<64x128xf32, #tpu.memory_space<vmem>> -> memref<64x128xf32, #tpu.memory_space<vmem>>
    tpu.wait_dma2 semaphore(%arg18 : memref<!tpu.dma_semaphore, #tpu.memory_space<semaphore_mem>>) src(%dma_wait3A_220 : memref<64x128xf32, #tpu.memory_space<vmem>>) dst(%dma_wait3A_217 : memref<64x128xf32, #tpu.memory_space<vmem_shared>>)
    %add3A_221 = arith.constant 512 : i32
    %add3A_222 = arith.addi %mul3A_6, %add3A_221 : i32
    %dma_wait3A_223 = arith.constant 0 : i32
    %dma_wait3A_224 = arith.constant 0 : i32
    %dma_wait3A_225 = tpu.memref_slice %arg12[%dma_wait3A_223, %dma_wait3A_224] : memref<64x128xf32, #tpu.memory_space<vmem>> -> memref<64x128xf32, #tpu.memory_space<vmem>>
    %dma_wait3A_226 = arith.constant 0 : i32
    %dma_wait3A_227 = tpu.memref_slice %arg16[%add3A_222, %dma_wait3A_226] : memref<10112x128xf32, #tpu.memory_space<vmem_shared>> -> memref<64x128xf32, #tpu.memory_space<vmem_shared>>
    %dma_wait3A_228 = arith.constant 0 : i32
    %dma_wait3A_229 = tpu.memref_slice %arg16[%add3A_222, %dma_wait3A_228] : memref<10112x128xf32, #tpu.memory_space<vmem_shared>> -> memref<64x128xf32, #tpu.memory_space<vmem_shared>>
    %dma_wait3A_230 = arith.constant 0 : i32
    %dma_wait3A_231 = arith.constant 0 : i32
    %dma_wait3A_232 = tpu.memref_slice %arg12[%dma_wait3A_230, %dma_wait3A_231] : memref<64x128xf32, #tpu.memory_space<vmem>> -> memref<64x128xf32, #tpu.memory_space<vmem>>
    tpu.wait_dma2 semaphore(%arg18 : memref<!tpu.dma_semaphore, #tpu.memory_space<semaphore_mem>>) src(%dma_wait3A_232 : memref<64x128xf32, #tpu.memory_space<vmem>>) dst(%dma_wait3A_229 : memref<64x128xf32, #tpu.memory_space<vmem_shared>>)
    %add3A_233 = arith.constant 576 : i32
    %add3A_234 = arith.addi %mul3A_6, %add3A_233 : i32
    %dma_wait3A_235 = arith.constant 0 : i32
    %dma_wait3A_236 = arith.constant 0 : i32
    %dma_wait3A_237 = tpu.memref_slice %arg12[%dma_wait3A_235, %dma_wait3A_236] : memref<64x128xf32, #tpu.memory_space<vmem>> -> memref<56x128xf32, #tpu.memory_space<vmem>>
    %dma_wait3A_238 = arith.constant 0 : i32
    %dma_wait3A_239 = tpu.memref_slice %arg16[%add3A_234, %dma_wait3A_238] : memref<10112x128xf32, #tpu.memory_space<vmem_shared>> -> memref<56x128xf32, #tpu.memory_space<vmem_shared>>
    %dma_wait3A_240 = arith.constant 0 : i32
    %dma_wait3A_241 = tpu.memref_slice %arg16[%add3A_234, %dma_wait3A_240] : memref<10112x128xf32, #tpu.memory_space<vmem_shared>> -> memref<56x128xf32, #tpu.memory_space<vmem_shared>>
    %dma_wait3A_242 = arith.constant 0 : i32
    %dma_wait3A_243 = arith.constant 0 : i32
    %dma_wait3A_244 = tpu.memref_slice %arg12[%dma_wait3A_242, %dma_wait3A_243] : memref<64x128xf32, #tpu.memory_space<vmem>> -> memref<56x128xf32, #tpu.memory_space<vmem>>
    tpu.wait_dma2 semaphore(%arg18 : memref<!tpu.dma_semaphore, #tpu.memory_space<semaphore_mem>>) src(%dma_wait3A_244 : memref<56x128xf32, #tpu.memory_space<vmem>>) dst(%dma_wait3A_241 : memref<56x128xf32, #tpu.memory_space<vmem_shared>>)
    "tpu.region"() ({
      %run_scoped3A = tpu.sem_alloc : memref<!tpu.dma_semaphore, #tpu.memory_space<semaphore_mem>>
      tpu.enqueue_dma source(%arg6 : memref<632xf32, #tpu.memory_space<hbm>>) target(%arg15 : memref<632xf32, #tpu.memory_space<vmem>>) target_semaphore(%run_scoped3A : memref<!tpu.dma_semaphore, #tpu.memory_space<semaphore_mem>>)
      tpu.wait_dma2 semaphore(%run_scoped3A : memref<!tpu.dma_semaphore, #tpu.memory_space<semaphore_mem>>) src(%arg6 : memref<632xf32, #tpu.memory_space<hbm>>) dst(%arg15 : memref<632xf32, #tpu.memory_space<vmem>>)
      tpu.yield
    }) : () -> ()
    "tpu.region"() ({
      %run_scoped3A = tpu.sem_alloc : memref<!tpu.dma_semaphore, #tpu.memory_space<semaphore_mem>>
      %dma_start3A_257 = tpu.memref_slice %arg17[%mul3A_6] : memref<10112xf32, #tpu.memory_space<vmem_shared>> -> memref<632xf32, #tpu.memory_space<vmem_shared>>
      %dma_start3A_258 = tpu.memref_slice %arg17[%mul3A_6] : memref<10112xf32, #tpu.memory_space<vmem_shared>> -> memref<632xf32, #tpu.memory_space<vmem_shared>>
      tpu.enqueue_dma source(%arg15 : memref<632xf32, #tpu.memory_space<vmem>>) target(%dma_start3A_258 : memref<632xf32, #tpu.memory_space<vmem_shared>>) target_semaphore(%run_scoped3A : memref<!tpu.dma_semaphore, #tpu.memory_space<semaphore_mem>>)
      %dma_wait3A_259 = tpu.memref_slice %arg17[%mul3A_6] : memref<10112xf32, #tpu.memory_space<vmem_shared>> -> memref<632xf32, #tpu.memory_space<vmem_shared>>
      %dma_wait3A_260 = tpu.memref_slice %arg17[%mul3A_6] : memref<10112xf32, #tpu.memory_space<vmem_shared>> -> memref<632xf32, #tpu.memory_space<vmem_shared>>
      tpu.wait_dma2 semaphore(%run_scoped3A : memref<!tpu.dma_semaphore, #tpu.memory_space<semaphore_mem>>) src(%arg15 : memref<632xf32, #tpu.memory_space<vmem>>) dst(%dma_wait3A_260 : memref<632xf32, #tpu.memory_space<vmem_shared>>)
      tpu.yield
    }) : () -> ()
    %barrier3A = arith.constant 0 : index
    tpu.barrier barrier_id(%barrier3A)
    %eq3A_245 = arith.constant 0 : i32
    %eq3A_246 = arith.cmpi eq, %arg0, %eq3A_245 : i32
    %convert_element_type3A = arith.extui %eq3A_246 : i1 to i32
    %cond3A = arith.constant 0 : i32
    %cond3A_247 = arith.cmpi ne, %convert_element_type3A, %cond3A : i32
    scf.if %cond3A_247 {
      "tpu.region"() ({
        %run_scoped3A_293 = tpu.sem_alloc : memref<!tpu.dma_semaphore, #tpu.memory_space<semaphore_mem>>
        %dma_start3A_294 = arith.constant 0 : i32
        %dma_start3A_295 = arith.constant 0 : i32
        %dma_start3A_296 = tpu.memref_slice %arg10[%dma_start3A_294, %dma_start3A_295] : memref<200x64xi32, #tpu.memory_space<vmem>> -> memref<200x64xi32, #tpu.memory_space<vmem>>
        %dma_start3A_297 = arith.constant 0 : i32
        %dma_start3A_298 = tpu.memref_slice %arg2[%select_n3A, %dma_start3A_297] : memref<5024x64xi32, #tpu.memory_space<hbm>> -> memref<200x64xi32, #tpu.memory_space<hbm>>
        %dma_start3A_299 = arith.constant 0 : i32
        %dma_start3A_300 = arith.constant 0 : i32
        %dma_start3A_301 = tpu.memref_slice %arg10[%dma_start3A_299, %dma_start3A_300] : memref<200x64xi32, #tpu.memory_space<vmem>> -> memref<200x64xi32, #tpu.memory_space<vmem>>
        %dma_start3A_302 = arith.constant 0 : i32
        %dma_start3A_303 = tpu.memref_slice %arg2[%select_n3A, %dma_start3A_302] : memref<5024x64xi32, #tpu.memory_space<hbm>> -> memref<200x64xi32, #tpu.memory_space<hbm>>
        tpu.enqueue_dma source(%dma_start3A_303 : memref<200x64xi32, #tpu.memory_space<hbm>>) target(%dma_start3A_301 : memref<200x64xi32, #tpu.memory_space<vmem>>) target_semaphore(%run_scoped3A_293 : memref<!tpu.dma_semaphore, #tpu.memory_space<semaphore_mem>>)
        %dma_wait3A_304 = arith.constant 0 : i32
        %dma_wait3A_305 = arith.constant 0 : i32
        %dma_wait3A_306 = tpu.memref_slice %arg10[%dma_wait3A_304, %dma_wait3A_305] : memref<200x64xi32, #tpu.memory_space<vmem>> -> memref<200x64xi32, #tpu.memory_space<vmem>>
        %dma_wait3A_307 = arith.constant 0 : i32
        %dma_wait3A_308 = tpu.memref_slice %arg2[%select_n3A, %dma_wait3A_307] : memref<5024x64xi32, #tpu.memory_space<hbm>> -> memref<200x64xi32, #tpu.memory_space<hbm>>
        %dma_wait3A_309 = arith.constant 0 : i32
        %dma_wait3A_310 = arith.constant 0 : i32
        %dma_wait3A_311 = tpu.memref_slice %arg10[%dma_wait3A_309, %dma_wait3A_310] : memref<200x64xi32, #tpu.memory_space<vmem>> -> memref<200x64xi32, #tpu.memory_space<vmem>>
        %dma_wait3A_312 = arith.constant 0 : i32
        %dma_wait3A_313 = tpu.memref_slice %arg2[%select_n3A, %dma_wait3A_312] : memref<5024x64xi32, #tpu.memory_space<hbm>> -> memref<200x64xi32, #tpu.memory_space<hbm>>
        tpu.wait_dma2 semaphore(%run_scoped3A_293 : memref<!tpu.dma_semaphore, #tpu.memory_space<semaphore_mem>>) src(%dma_wait3A_313 : memref<200x64xi32, #tpu.memory_space<hbm>>) dst(%dma_wait3A_311 : memref<200x64xi32, #tpu.memory_space<vmem>>)
        tpu.yield
      }) : () -> ()
      "tpu.region"() ({
        %run_scoped3A_293 = tpu.sem_alloc : memref<!tpu.dma_semaphore, #tpu.memory_space<semaphore_mem>>
        %dma_start3A_294 = arith.constant 0 : i32
        %dma_start3A_295 = arith.constant 0 : i32
        %dma_start3A_296 = tpu.memref_slice %arg11[%dma_start3A_294, %dma_start3A_295] : memref<200x64xi32, #tpu.memory_space<vmem>> -> memref<200x64xi32, #tpu.memory_space<vmem>>
        %dma_start3A_297 = arith.constant 0 : i32
        %dma_start3A_298 = tpu.memref_slice %arg3[%select_n3A, %dma_start3A_297] : memref<5024x64xi32, #tpu.memory_space<hbm>> -> memref<200x64xi32, #tpu.memory_space<hbm>>
        %dma_start3A_299 = arith.constant 0 : i32
        %dma_start3A_300 = arith.constant 0 : i32
        %dma_start3A_301 = tpu.memref_slice %arg11[%dma_start3A_299, %dma_start3A_300] : memref<200x64xi32, #tpu.memory_space<vmem>> -> memref<200x64xi32, #tpu.memory_space<vmem>>
        %dma_start3A_302 = arith.constant 0 : i32
        %dma_start3A_303 = tpu.memref_slice %arg3[%select_n3A, %dma_start3A_302] : memref<5024x64xi32, #tpu.memory_space<hbm>> -> memref<200x64xi32, #tpu.memory_space<hbm>>
        tpu.enqueue_dma source(%dma_start3A_303 : memref<200x64xi32, #tpu.memory_space<hbm>>) target(%dma_start3A_301 : memref<200x64xi32, #tpu.memory_space<vmem>>) target_semaphore(%run_scoped3A_293 : memref<!tpu.dma_semaphore, #tpu.memory_space<semaphore_mem>>)
        %dma_wait3A_304 = arith.constant 0 : i32
        %dma_wait3A_305 = arith.constant 0 : i32
        %dma_wait3A_306 = tpu.memref_slice %arg11[%dma_wait3A_304, %dma_wait3A_305] : memref<200x64xi32, #tpu.memory_space<vmem>> -> memref<200x64xi32, #tpu.memory_space<vmem>>
        %dma_wait3A_307 = arith.constant 0 : i32
        %dma_wait3A_308 = tpu.memref_slice %arg3[%select_n3A, %dma_wait3A_307] : memref<5024x64xi32, #tpu.memory_space<hbm>> -> memref<200x64xi32, #tpu.memory_space<hbm>>
        %dma_wait3A_309 = arith.constant 0 : i32
        %dma_wait3A_310 = arith.constant 0 : i32
        %dma_wait3A_311 = tpu.memref_slice %arg11[%dma_wait3A_309, %dma_wait3A_310] : memref<200x64xi32, #tpu.memory_space<vmem>> -> memref<200x64xi32, #tpu.memory_space<vmem>>
        %dma_wait3A_312 = arith.constant 0 : i32
        %dma_wait3A_313 = tpu.memref_slice %arg3[%select_n3A, %dma_wait3A_312] : memref<5024x64xi32, #tpu.memory_space<hbm>> -> memref<200x64xi32, #tpu.memory_space<hbm>>
        tpu.wait_dma2 semaphore(%run_scoped3A_293 : memref<!tpu.dma_semaphore, #tpu.memory_space<semaphore_mem>>) src(%dma_wait3A_313 : memref<200x64xi32, #tpu.memory_space<hbm>>) dst(%dma_wait3A_311 : memref<200x64xi32, #tpu.memory_space<vmem>>)
        tpu.yield
      }) : () -> ()
      %dma_start3A_257 = arith.constant 0 : i32
      %dma_start3A_258 = arith.constant 0 : i32
      %dma_start3A_259 = tpu.memref_slice %arg10[%dma_start3A_257, %dma_start3A_258] : memref<200x64xi32, #tpu.memory_space<vmem>> -> memref<1x64xi32, #tpu.memory_space<vmem>>
      %dma_start3A_260 = tpu.memref_squeeze %dma_start3A_259 : memref<1x64xi32, #tpu.memory_space<vmem>> -> memref<64xi32, #tpu.memory_space<vmem>>
      %dma_start3A_261 = arith.constant 0 : i32
      %dma_start3A_262 = arith.constant 0 : i32
      %dma_start3A_263 = tpu.memref_slice %arg4[%dma_start3A_261, %dma_start3A_262] : memref<10000x128xf32, #tpu.memory_space<hbm>> -> memref<10000x128xf32, #tpu.memory_space<hbm>>
      tpu.enqueue_indirect_dma source(%dma_start3A_263 : memref<10000x128xf32, #tpu.memory_space<hbm>>) target(%arg12 : memref<64x128xf32, #tpu.memory_space<vmem>>) offsets(%dma_start3A_260 : memref<64xi32, #tpu.memory_space<vmem>>) semaphore(%arg18 : memref<!tpu.dma_semaphore, #tpu.memory_space<semaphore_mem>>)
      %dma_start3A_264 = arith.constant 1 : i32
      %dma_start3A_265 = arith.constant 0 : i32
      %dma_start3A_266 = tpu.memref_slice %arg10[%dma_start3A_264, %dma_start3A_265] : memref<200x64xi32, #tpu.memory_space<vmem>> -> memref<1x64xi32, #tpu.memory_space<vmem>>
      %dma_start3A_267 = tpu.memref_squeeze %dma_start3A_266 : memref<1x64xi32, #tpu.memory_space<vmem>> -> memref<64xi32, #tpu.memory_space<vmem>>
      %dma_start3A_268 = arith.constant 0 : i32
      %dma_start3A_269 = arith.constant 0 : i32
      %dma_start3A_270 = tpu.memref_slice %arg4[%dma_start3A_268, %dma_start3A_269] : memref<10000x128xf32, #tpu.memory_space<hbm>> -> memref<10000x128xf32, #tpu.memory_space<hbm>>
      tpu.enqueue_indirect_dma source(%dma_start3A_270 : memref<10000x128xf32, #tpu.memory_space<hbm>>) target(%arg13 : memref<64x128xf32, #tpu.memory_space<vmem>>) offsets(%dma_start3A_267 : memref<64xi32, #tpu.memory_space<vmem>>) semaphore(%arg19 : memref<!tpu.dma_semaphore, #tpu.memory_space<semaphore_mem>>)
      %scan3A = arith.constant 0 : i32
      %scan3A_271 = arith.constant 0 : i32
      %scan3A_272 = arith.constant 99 : i32
      %scan3A_273 = arith.addi %scan3A_271, %scan3A_272 : i32
      %scan3A_274 = arith.constant 1 : i32
      scf.for %scan3A_293 = %scan3A_271 to %scan3A_273 step %scan3A_274  : i32 {
        %mul3A_294 = arith.constant 2 : i32
        %mul3A_295 = arith.muli %scan3A_293, %mul3A_294 : i32
        %dma_wait3A_296 = arith.constant 0 : i32
        %dma_wait3A_297 = tpu.memref_slice %arg10[%mul3A_295, %dma_wait3A_296] : memref<200x64xi32, #tpu.memory_space<vmem>> -> memref<1x64xi32, #tpu.memory_space<vmem>>
        %dma_wait3A_298 = tpu.memref_squeeze %dma_wait3A_297 : memref<1x64xi32, #tpu.memory_space<vmem>> -> memref<64xi32, #tpu.memory_space<vmem>>
        %dma_wait3A_299 = arith.constant 0 : i32
        %dma_wait3A_300 = arith.constant 0 : i32
        %dma_wait3A_301 = tpu.memref_slice %arg4[%dma_wait3A_299, %dma_wait3A_300] : memref<10000x128xf32, #tpu.memory_space<hbm>> -> memref<10000x128xf32, #tpu.memory_space<hbm>>
        tpu.wait_indirect_dma semaphore(%arg18 : memref<!tpu.dma_semaphore, #tpu.memory_space<semaphore_mem>>) src(%dma_wait3A_301 : memref<10000x128xf32, #tpu.memory_space<hbm>>) dst(%arg12 : memref<64x128xf32, #tpu.memory_space<vmem>>)
        "tpu.region"() ({
          %run_scoped3A_326 = tpu.sem_alloc : memref<!tpu.dma_semaphore, #tpu.memory_space<semaphore_mem>>
          %dma_start3A_327 = arith.constant 0 : i32
          %dma_start3A_328 = tpu.memref_slice %arg11[%mul3A_295, %dma_start3A_327] : memref<200x64xi32, #tpu.memory_space<vmem>> -> memref<1x64xi32, #tpu.memory_space<vmem>>
          %dma_start3A_329 = tpu.memref_squeeze %dma_start3A_328 : memref<1x64xi32, #tpu.memory_space<vmem>> -> memref<64xi32, #tpu.memory_space<vmem>>
          %dma_start3A_330 = arith.constant 0 : i32
          %dma_start3A_331 = arith.constant 0 : i32
          %dma_start3A_332 = tpu.memref_slice %arg16[%dma_start3A_330, %dma_start3A_331] : memref<10112x128xf32, #tpu.memory_space<vmem_shared>> -> memref<10112x128xf32, #tpu.memory_space<vmem_shared>>
          tpu.enqueue_indirect_dma source(%arg12 : memref<64x128xf32, #tpu.memory_space<vmem>>) target(%dma_start3A_332 : memref<10112x128xf32, #tpu.memory_space<vmem_shared>>) offsets(%dma_start3A_329 : memref<64xi32, #tpu.memory_space<vmem>>) semaphore(%run_scoped3A_326 : memref<!tpu.dma_semaphore, #tpu.memory_space<semaphore_mem>>) {add = true}
          %dma_wait3A_333 = arith.constant 0 : i32
          %dma_wait3A_334 = tpu.memref_slice %arg11[%mul3A_295, %dma_wait3A_333] : memref<200x64xi32, #tpu.memory_space<vmem>> -> memref<1x64xi32, #tpu.memory_space<vmem>>
          %dma_wait3A_335 = tpu.memref_squeeze %dma_wait3A_334 : memref<1x64xi32, #tpu.memory_space<vmem>> -> memref<64xi32, #tpu.memory_space<vmem>>
          %dma_wait3A_336 = arith.constant 0 : i32
          %dma_wait3A_337 = arith.constant 0 : i32
          %dma_wait3A_338 = tpu.memref_slice %arg16[%dma_wait3A_336, %dma_wait3A_337] : memref<10112x128xf32, #tpu.memory_space<vmem_shared>> -> memref<10112x128xf32, #tpu.memory_space<vmem_shared>>
          tpu.wait_indirect_dma semaphore(%run_scoped3A_326 : memref<!tpu.dma_semaphore, #tpu.memory_space<semaphore_mem>>) src(%arg12 : memref<64x128xf32, #tpu.memory_space<vmem>>) dst(%dma_wait3A_338 : memref<10112x128xf32, #tpu.memory_space<vmem_shared>>)
          tpu.yield
        }) : () -> ()
        "tpu.region"() ({
          %run_scoped3A_326 = tpu.sem_alloc : memref<!tpu.dma_semaphore, #tpu.memory_space<semaphore_mem>>
          %dma_start3A_327 = arith.constant 0 : i32
          %dma_start3A_328 = tpu.memref_slice %arg11[%mul3A_295, %dma_start3A_327] : memref<200x64xi32, #tpu.memory_space<vmem>> -> memref<1x64xi32, #tpu.memory_space<vmem>>
          %dma_start3A_329 = tpu.memref_squeeze %dma_start3A_328 : memref<1x64xi32, #tpu.memory_space<vmem>> -> memref<64xi32, #tpu.memory_space<vmem>>
          %dma_start3A_330 = arith.constant 0 : i32
          %dma_start3A_331 = tpu.memref_slice %arg17[%dma_start3A_330] : memref<10112xf32, #tpu.memory_space<vmem_shared>> -> memref<10112xf32, #tpu.memory_space<vmem_shared>>
          tpu.enqueue_indirect_dma source(%arg14 : memref<64xf32, #tpu.memory_space<vmem>>) target(%dma_start3A_331 : memref<10112xf32, #tpu.memory_space<vmem_shared>>) offsets(%dma_start3A_329 : memref<64xi32, #tpu.memory_space<vmem>>) semaphore(%run_scoped3A_326 : memref<!tpu.dma_semaphore, #tpu.memory_space<semaphore_mem>>) {add = true}
          %dma_wait3A_332 = arith.constant 0 : i32
          %dma_wait3A_333 = tpu.memref_slice %arg11[%mul3A_295, %dma_wait3A_332] : memref<200x64xi32, #tpu.memory_space<vmem>> -> memref<1x64xi32, #tpu.memory_space<vmem>>
          %dma_wait3A_334 = tpu.memref_squeeze %dma_wait3A_333 : memref<1x64xi32, #tpu.memory_space<vmem>> -> memref<64xi32, #tpu.memory_space<vmem>>
          %dma_wait3A_335 = arith.constant 0 : i32
          %dma_wait3A_336 = tpu.memref_slice %arg17[%dma_wait3A_335] : memref<10112xf32, #tpu.memory_space<vmem_shared>> -> memref<10112xf32, #tpu.memory_space<vmem_shared>>
          tpu.wait_indirect_dma semaphore(%run_scoped3A_326 : memref<!tpu.dma_semaphore, #tpu.memory_space<semaphore_mem>>) src(%arg14 : memref<64xf32, #tpu.memory_space<vmem>>) dst(%dma_wait3A_336 : memref<10112xf32, #tpu.memory_space<vmem_shared>>)
          tpu.yield
        }) : () -> ()
        %add3A_302 = arith.constant 2 : i32
        %add3A_303 = arith.addi %mul3A_295, %add3A_302 : i32
        %dma_start3A_304 = arith.constant 0 : i32
        %dma_start3A_305 = tpu.memref_slice %arg10[%add3A_303, %dma_start3A_304] : memref<200x64xi32, #tpu.memory_space<vmem>> -> memref<1x64xi32, #tpu.memory_space<vmem>>
        %dma_start3A_306 = tpu.memref_squeeze %dma_start3A_305 : memref<1x64xi32, #tpu.memory_space<vmem>> -> memref<64xi32, #tpu.memory_space<vmem>>
        %dma_start3A_307 = arith.constant 0 : i32
        %dma_start3A_308 = arith.constant 0 : i32
        %dma_start3A_309 = tpu.memref_slice %arg4[%dma_start3A_307, %dma_start3A_308] : memref<10000x128xf32, #tpu.memory_space<hbm>> -> memref<10000x128xf32, #tpu.memory_space<hbm>>
        tpu.enqueue_indirect_dma source(%dma_start3A_309 : memref<10000x128xf32, #tpu.memory_space<hbm>>) target(%arg12 : memref<64x128xf32, #tpu.memory_space<vmem>>) offsets(%dma_start3A_306 : memref<64xi32, #tpu.memory_space<vmem>>) semaphore(%arg18 : memref<!tpu.dma_semaphore, #tpu.memory_space<semaphore_mem>>)
        %add3A_310 = arith.constant 1 : i32
        %add3A_311 = arith.addi %mul3A_295, %add3A_310 : i32
        %dma_wait3A_312 = arith.constant 0 : i32
        %dma_wait3A_313 = tpu.memref_slice %arg10[%add3A_311, %dma_wait3A_312] : memref<200x64xi32, #tpu.memory_space<vmem>> -> memref<1x64xi32, #tpu.memory_space<vmem>>
        %dma_wait3A_314 = tpu.memref_squeeze %dma_wait3A_313 : memref<1x64xi32, #tpu.memory_space<vmem>> -> memref<64xi32, #tpu.memory_space<vmem>>
        %dma_wait3A_315 = arith.constant 0 : i32
        %dma_wait3A_316 = arith.constant 0 : i32
        %dma_wait3A_317 = tpu.memref_slice %arg4[%dma_wait3A_315, %dma_wait3A_316] : memref<10000x128xf32, #tpu.memory_space<hbm>> -> memref<10000x128xf32, #tpu.memory_space<hbm>>
        tpu.wait_indirect_dma semaphore(%arg19 : memref<!tpu.dma_semaphore, #tpu.memory_space<semaphore_mem>>) src(%dma_wait3A_317 : memref<10000x128xf32, #tpu.memory_space<hbm>>) dst(%arg13 : memref<64x128xf32, #tpu.memory_space<vmem>>)
        "tpu.region"() ({
          %run_scoped3A_326 = tpu.sem_alloc : memref<!tpu.dma_semaphore, #tpu.memory_space<semaphore_mem>>
          %dma_start3A_327 = arith.constant 0 : i32
          %dma_start3A_328 = tpu.memref_slice %arg11[%add3A_311, %dma_start3A_327] : memref<200x64xi32, #tpu.memory_space<vmem>> -> memref<1x64xi32, #tpu.memory_space<vmem>>
          %dma_start3A_329 = tpu.memref_squeeze %dma_start3A_328 : memref<1x64xi32, #tpu.memory_space<vmem>> -> memref<64xi32, #tpu.memory_space<vmem>>
          %dma_start3A_330 = arith.constant 0 : i32
          %dma_start3A_331 = arith.constant 0 : i32
          %dma_start3A_332 = tpu.memref_slice %arg16[%dma_start3A_330, %dma_start3A_331] : memref<10112x128xf32, #tpu.memory_space<vmem_shared>> -> memref<10112x128xf32, #tpu.memory_space<vmem_shared>>
          tpu.enqueue_indirect_dma source(%arg13 : memref<64x128xf32, #tpu.memory_space<vmem>>) target(%dma_start3A_332 : memref<10112x128xf32, #tpu.memory_space<vmem_shared>>) offsets(%dma_start3A_329 : memref<64xi32, #tpu.memory_space<vmem>>) semaphore(%run_scoped3A_326 : memref<!tpu.dma_semaphore, #tpu.memory_space<semaphore_mem>>) {add = true}
          %dma_wait3A_333 = arith.constant 0 : i32
          %dma_wait3A_334 = tpu.memref_slice %arg11[%add3A_311, %dma_wait3A_333] : memref<200x64xi32, #tpu.memory_space<vmem>> -> memref<1x64xi32, #tpu.memory_space<vmem>>
          %dma_wait3A_335 = tpu.memref_squeeze %dma_wait3A_334 : memref<1x64xi32, #tpu.memory_space<vmem>> -> memref<64xi32, #tpu.memory_space<vmem>>
          %dma_wait3A_336 = arith.constant 0 : i32
          %dma_wait3A_337 = arith.constant 0 : i32
          %dma_wait3A_338 = tpu.memref_slice %arg16[%dma_wait3A_336, %dma_wait3A_337] : memref<10112x128xf32, #tpu.memory_space<vmem_shared>> -> memref<10112x128xf32, #tpu.memory_space<vmem_shared>>
          tpu.wait_indirect_dma semaphore(%run_scoped3A_326 : memref<!tpu.dma_semaphore, #tpu.memory_space<semaphore_mem>>) src(%arg13 : memref<64x128xf32, #tpu.memory_space<vmem>>) dst(%dma_wait3A_338 : memref<10112x128xf32, #tpu.memory_space<vmem_shared>>)
          tpu.yield
        }) : () -> ()
        "tpu.region"() ({
          %run_scoped3A_326 = tpu.sem_alloc : memref<!tpu.dma_semaphore, #tpu.memory_space<semaphore_mem>>
          %dma_start3A_327 = arith.constant 0 : i32
          %dma_start3A_328 = tpu.memref_slice %arg11[%add3A_311, %dma_start3A_327] : memref<200x64xi32, #tpu.memory_space<vmem>> -> memref<1x64xi32, #tpu.memory_space<vmem>>
          %dma_start3A_329 = tpu.memref_squeeze %dma_start3A_328 : memref<1x64xi32, #tpu.memory_space<vmem>> -> memref<64xi32, #tpu.memory_space<vmem>>
          %dma_start3A_330 = arith.constant 0 : i32
          %dma_start3A_331 = tpu.memref_slice %arg17[%dma_start3A_330] : memref<10112xf32, #tpu.memory_space<vmem_shared>> -> memref<10112xf32, #tpu.memory_space<vmem_shared>>
          tpu.enqueue_indirect_dma source(%arg14 : memref<64xf32, #tpu.memory_space<vmem>>) target(%dma_start3A_331 : memref<10112xf32, #tpu.memory_space<vmem_shared>>) offsets(%dma_start3A_329 : memref<64xi32, #tpu.memory_space<vmem>>) semaphore(%run_scoped3A_326 : memref<!tpu.dma_semaphore, #tpu.memory_space<semaphore_mem>>) {add = true}
          %dma_wait3A_332 = arith.constant 0 : i32
          %dma_wait3A_333 = tpu.memref_slice %arg11[%add3A_311, %dma_wait3A_332] : memref<200x64xi32, #tpu.memory_space<vmem>> -> memref<1x64xi32, #tpu.memory_space<vmem>>
          %dma_wait3A_334 = tpu.memref_squeeze %dma_wait3A_333 : memref<1x64xi32, #tpu.memory_space<vmem>> -> memref<64xi32, #tpu.memory_space<vmem>>
          %dma_wait3A_335 = arith.constant 0 : i32
          %dma_wait3A_336 = tpu.memref_slice %arg17[%dma_wait3A_335] : memref<10112xf32, #tpu.memory_space<vmem_shared>> -> memref<10112xf32, #tpu.memory_space<vmem_shared>>
          tpu.wait_indirect_dma semaphore(%run_scoped3A_326 : memref<!tpu.dma_semaphore, #tpu.memory_space<semaphore_mem>>) src(%arg14 : memref<64xf32, #tpu.memory_space<vmem>>) dst(%dma_wait3A_336 : memref<10112xf32, #tpu.memory_space<vmem_shared>>)
          tpu.yield
        }) : () -> ()
        %add3A_318 = arith.constant 3 : i32
        %add3A_319 = arith.addi %mul3A_295, %add3A_318 : i32
        %dma_start3A_320 = arith.constant 0 : i32
        %dma_start3A_321 = tpu.memref_slice %arg10[%add3A_319, %dma_start3A_320] : memref<200x64xi32, #tpu.memory_space<vmem>> -> memref<1x64xi32, #tpu.memory_space<vmem>>
        %dma_start3A_322 = tpu.memref_squeeze %dma_start3A_321 : memref<1x64xi32, #tpu.memory_space<vmem>> -> memref<64xi32, #tpu.memory_space<vmem>>
        %dma_start3A_323 = arith.constant 0 : i32
        %dma_start3A_324 = arith.constant 0 : i32
        %dma_start3A_325 = tpu.memref_slice %arg4[%dma_start3A_323, %dma_start3A_324] : memref<10000x128xf32, #tpu.memory_space<hbm>> -> memref<10000x128xf32, #tpu.memory_space<hbm>>
        tpu.enqueue_indirect_dma source(%dma_start3A_325 : memref<10000x128xf32, #tpu.memory_space<hbm>>) target(%arg13 : memref<64x128xf32, #tpu.memory_space<vmem>>) offsets(%dma_start3A_322 : memref<64xi32, #tpu.memory_space<vmem>>) semaphore(%arg19 : memref<!tpu.dma_semaphore, #tpu.memory_space<semaphore_mem>>)
      }
      %scan3A_275 = arith.constant 99 : i32
      %dma_wait3A_276 = arith.constant 198 : i32
      %dma_wait3A_277 = arith.constant 0 : i32
      %dma_wait3A_278 = tpu.memref_slice %arg10[%dma_wait3A_276, %dma_wait3A_277] : memref<200x64xi32, #tpu.memory_space<vmem>> -> memref<1x64xi32, #tpu.memory_space<vmem>>
      %dma_wait3A_279 = tpu.memref_squeeze %dma_wait3A_278 : memref<1x64xi32, #tpu.memory_space<vmem>> -> memref<64xi32, #tpu.memory_space<vmem>>
      %dma_wait3A_280 = arith.constant 0 : i32
      %dma_wait3A_281 = arith.constant 0 : i32
      %dma_wait3A_282 = tpu.memref_slice %arg4[%dma_wait3A_280, %dma_wait3A_281] : memref<10000x128xf32, #tpu.memory_space<hbm>> -> memref<10000x128xf32, #tpu.memory_space<hbm>>
      tpu.wait_indirect_dma semaphore(%arg18 : memref<!tpu.dma_semaphore, #tpu.memory_space<semaphore_mem>>) src(%dma_wait3A_282 : memref<10000x128xf32, #tpu.memory_space<hbm>>) dst(%arg12 : memref<64x128xf32, #tpu.memory_space<vmem>>)
      %run_scoped3A = arith.constant 198 : i32
      "tpu.region"() ({
        %run_scoped3A_293 = tpu.sem_alloc : memref<!tpu.dma_semaphore, #tpu.memory_space<semaphore_mem>>
        %dma_start3A_294 = arith.constant 0 : i32
        %dma_start3A_295 = tpu.memref_slice %arg11[%run_scoped3A, %dma_start3A_294] : memref<200x64xi32, #tpu.memory_space<vmem>> -> memref<1x64xi32, #tpu.memory_space<vmem>>
        %dma_start3A_296 = tpu.memref_squeeze %dma_start3A_295 : memref<1x64xi32, #tpu.memory_space<vmem>> -> memref<64xi32, #tpu.memory_space<vmem>>
        %dma_start3A_297 = arith.constant 0 : i32
        %dma_start3A_298 = arith.constant 0 : i32
        %dma_start3A_299 = tpu.memref_slice %arg16[%dma_start3A_297, %dma_start3A_298] : memref<10112x128xf32, #tpu.memory_space<vmem_shared>> -> memref<10112x128xf32, #tpu.memory_space<vmem_shared>>
        tpu.enqueue_indirect_dma source(%arg12 : memref<64x128xf32, #tpu.memory_space<vmem>>) target(%dma_start3A_299 : memref<10112x128xf32, #tpu.memory_space<vmem_shared>>) offsets(%dma_start3A_296 : memref<64xi32, #tpu.memory_space<vmem>>) semaphore(%run_scoped3A_293 : memref<!tpu.dma_semaphore, #tpu.memory_space<semaphore_mem>>) {add = true}
        %dma_wait3A_300 = arith.constant 0 : i32
        %dma_wait3A_301 = tpu.memref_slice %arg11[%run_scoped3A, %dma_wait3A_300] : memref<200x64xi32, #tpu.memory_space<vmem>> -> memref<1x64xi32, #tpu.memory_space<vmem>>
        %dma_wait3A_302 = tpu.memref_squeeze %dma_wait3A_301 : memref<1x64xi32, #tpu.memory_space<vmem>> -> memref<64xi32, #tpu.memory_space<vmem>>
        %dma_wait3A_303 = arith.constant 0 : i32
        %dma_wait3A_304 = arith.constant 0 : i32
        %dma_wait3A_305 = tpu.memref_slice %arg16[%dma_wait3A_303, %dma_wait3A_304] : memref<10112x128xf32, #tpu.memory_space<vmem_shared>> -> memref<10112x128xf32, #tpu.memory_space<vmem_shared>>
        tpu.wait_indirect_dma semaphore(%run_scoped3A_293 : memref<!tpu.dma_semaphore, #tpu.memory_space<semaphore_mem>>) src(%arg12 : memref<64x128xf32, #tpu.memory_space<vmem>>) dst(%dma_wait3A_305 : memref<10112x128xf32, #tpu.memory_space<vmem_shared>>)
        tpu.yield
      }) : () -> ()
      %run_scoped3A_283 = arith.constant 198 : i32
      "tpu.region"() ({
        %run_scoped3A_293 = tpu.sem_alloc : memref<!tpu.dma_semaphore, #tpu.memory_space<semaphore_mem>>
        %dma_start3A_294 = arith.constant 0 : i32
        %dma_start3A_295 = tpu.memref_slice %arg11[%run_scoped3A_283, %dma_start3A_294] : memref<200x64xi32, #tpu.memory_space<vmem>> -> memref<1x64xi32, #tpu.memory_space<vmem>>
        %dma_start3A_296 = tpu.memref_squeeze %dma_start3A_295 : memref<1x64xi32, #tpu.memory_space<vmem>> -> memref<64xi32, #tpu.memory_space<vmem>>
        %dma_start3A_297 = arith.constant 0 : i32
        %dma_start3A_298 = tpu.memref_slice %arg17[%dma_start3A_297] : memref<10112xf32, #tpu.memory_space<vmem_shared>> -> memref<10112xf32, #tpu.memory_space<vmem_shared>>
        tpu.enqueue_indirect_dma source(%arg14 : memref<64xf32, #tpu.memory_space<vmem>>) target(%dma_start3A_298 : memref<10112xf32, #tpu.memory_space<vmem_shared>>) offsets(%dma_start3A_296 : memref<64xi32, #tpu.memory_space<vmem>>) semaphore(%run_scoped3A_293 : memref<!tpu.dma_semaphore, #tpu.memory_space<semaphore_mem>>) {add = true}
        %dma_wait3A_299 = arith.constant 0 : i32
        %dma_wait3A_300 = tpu.memref_slice %arg11[%run_scoped3A_283, %dma_wait3A_299] : memref<200x64xi32, #tpu.memory_space<vmem>> -> memref<1x64xi32, #tpu.memory_space<vmem>>
        %dma_wait3A_301 = tpu.memref_squeeze %dma_wait3A_300 : memref<1x64xi32, #tpu.memory_space<vmem>> -> memref<64xi32, #tpu.memory_space<vmem>>
        %dma_wait3A_302 = arith.constant 0 : i32
        %dma_wait3A_303 = tpu.memref_slice %arg17[%dma_wait3A_302] : memref<10112xf32, #tpu.memory_space<vmem_shared>> -> memref<10112xf32, #tpu.memory_space<vmem_shared>>
        tpu.wait_indirect_dma semaphore(%run_scoped3A_293 : memref<!tpu.dma_semaphore, #tpu.memory_space<semaphore_mem>>) src(%arg14 : memref<64xf32, #tpu.memory_space<vmem>>) dst(%dma_wait3A_303 : memref<10112xf32, #tpu.memory_space<vmem_shared>>)
        tpu.yield
      }) : () -> ()
      %dma_wait3A_284 = arith.constant 199 : i32
      %dma_wait3A_285 = arith.constant 0 : i32
      %dma_wait3A_286 = tpu.memref_slice %arg10[%dma_wait3A_284, %dma_wait3A_285] : memref<200x64xi32, #tpu.memory_space<vmem>> -> memref<1x64xi32, #tpu.memory_space<vmem>>
      %dma_wait3A_287 = tpu.memref_squeeze %dma_wait3A_286 : memref<1x64xi32, #tpu.memory_space<vmem>> -> memref<64xi32, #tpu.memory_space<vmem>>
      %dma_wait3A_288 = arith.constant 0 : i32
      %dma_wait3A_289 = arith.constant 0 : i32
      %dma_wait3A_290 = tpu.memref_slice %arg4[%dma_wait3A_288, %dma_wait3A_289] : memref<10000x128xf32, #tpu.memory_space<hbm>> -> memref<10000x128xf32, #tpu.memory_space<hbm>>
      tpu.wait_indirect_dma semaphore(%arg19 : memref<!tpu.dma_semaphore, #tpu.memory_space<semaphore_mem>>) src(%dma_wait3A_290 : memref<10000x128xf32, #tpu.memory_space<hbm>>) dst(%arg13 : memref<64x128xf32, #tpu.memory_space<vmem>>)
      %run_scoped3A_291 = arith.constant 199 : i32
      "tpu.region"() ({
        %run_scoped3A_293 = tpu.sem_alloc : memref<!tpu.dma_semaphore, #tpu.memory_space<semaphore_mem>>
        %dma_start3A_294 = arith.constant 0 : i32
        %dma_start3A_295 = tpu.memref_slice %arg11[%run_scoped3A_291, %dma_start3A_294] : memref<200x64xi32, #tpu.memory_space<vmem>> -> memref<1x64xi32, #tpu.memory_space<vmem>>
        %dma_start3A_296 = tpu.memref_squeeze %dma_start3A_295 : memref<1x64xi32, #tpu.memory_space<vmem>> -> memref<64xi32, #tpu.memory_space<vmem>>
        %dma_start3A_297 = arith.constant 0 : i32
        %dma_start3A_298 = arith.constant 0 : i32
        %dma_start3A_299 = tpu.memref_slice %arg16[%dma_start3A_297, %dma_start3A_298] : memref<10112x128xf32, #tpu.memory_space<vmem_shared>> -> memref<10112x128xf32, #tpu.memory_space<vmem_shared>>
        tpu.enqueue_indirect_dma source(%arg13 : memref<64x128xf32, #tpu.memory_space<vmem>>) target(%dma_start3A_299 : memref<10112x128xf32, #tpu.memory_space<vmem_shared>>) offsets(%dma_start3A_296 : memref<64xi32, #tpu.memory_space<vmem>>) semaphore(%run_scoped3A_293 : memref<!tpu.dma_semaphore, #tpu.memory_space<semaphore_mem>>) {add = true}
        %dma_wait3A_300 = arith.constant 0 : i32
        %dma_wait3A_301 = tpu.memref_slice %arg11[%run_scoped3A_291, %dma_wait3A_300] : memref<200x64xi32, #tpu.memory_space<vmem>> -> memref<1x64xi32, #tpu.memory_space<vmem>>
        %dma_wait3A_302 = tpu.memref_squeeze %dma_wait3A_301 : memref<1x64xi32, #tpu.memory_space<vmem>> -> memref<64xi32, #tpu.memory_space<vmem>>
        %dma_wait3A_303 = arith.constant 0 : i32
        %dma_wait3A_304 = arith.constant 0 : i32
        %dma_wait3A_305 = tpu.memref_slice %arg16[%dma_wait3A_303, %dma_wait3A_304] : memref<10112x128xf32, #tpu.memory_space<vmem_shared>> -> memref<10112x128xf32, #tpu.memory_space<vmem_shared>>
        tpu.wait_indirect_dma semaphore(%run_scoped3A_293 : memref<!tpu.dma_semaphore, #tpu.memory_space<semaphore_mem>>) src(%arg13 : memref<64x128xf32, #tpu.memory_space<vmem>>) dst(%dma_wait3A_305 : memref<10112x128xf32, #tpu.memory_space<vmem_shared>>)
        tpu.yield
      }) : () -> ()
      %run_scoped3A_292 = arith.constant 199 : i32
      "tpu.region"() ({
        %run_scoped3A_293 = tpu.sem_alloc : memref<!tpu.dma_semaphore, #tpu.memory_space<semaphore_mem>>
        %dma_start3A_294 = arith.constant 0 : i32
        %dma_start3A_295 = tpu.memref_slice %arg11[%run_scoped3A_292, %dma_start3A_294] : memref<200x64xi32, #tpu.memory_space<vmem>> -> memref<1x64xi32, #tpu.memory_space<vmem>>
        %dma_start3A_296 = tpu.memref_squeeze %dma_start3A_295 : memref<1x64xi32, #tpu.memory_space<vmem>> -> memref<64xi32, #tpu.memory_space<vmem>>
        %dma_start3A_297 = arith.constant 0 : i32
        %dma_start3A_298 = tpu.memref_slice %arg17[%dma_start3A_297] : memref<10112xf32, #tpu.memory_space<vmem_shared>> -> memref<10112xf32, #tpu.memory_space<vmem_shared>>
        tpu.enqueue_indirect_dma source(%arg14 : memref<64xf32, #tpu.memory_space<vmem>>) target(%dma_start3A_298 : memref<10112xf32, #tpu.memory_space<vmem_shared>>) offsets(%dma_start3A_296 : memref<64xi32, #tpu.memory_space<vmem>>) semaphore(%run_scoped3A_293 : memref<!tpu.dma_semaphore, #tpu.memory_space<semaphore_mem>>) {add = true}
        %dma_wait3A_299 = arith.constant 0 : i32
        %dma_wait3A_300 = tpu.memref_slice %arg11[%run_scoped3A_292, %dma_wait3A_299] : memref<200x64xi32, #tpu.memory_space<vmem>> -> memref<1x64xi32, #tpu.memory_space<vmem>>
        %dma_wait3A_301 = tpu.memref_squeeze %dma_wait3A_300 : memref<1x64xi32, #tpu.memory_space<vmem>> -> memref<64xi32, #tpu.memory_space<vmem>>
        %dma_wait3A_302 = arith.constant 0 : i32
        %dma_wait3A_303 = tpu.memref_slice %arg17[%dma_wait3A_302] : memref<10112xf32, #tpu.memory_space<vmem_shared>> -> memref<10112xf32, #tpu.memory_space<vmem_shared>>
        tpu.wait_indirect_dma semaphore(%run_scoped3A_293 : memref<!tpu.dma_semaphore, #tpu.memory_space<semaphore_mem>>) src(%arg14 : memref<64xf32, #tpu.memory_space<vmem>>) dst(%dma_wait3A_303 : memref<10112xf32, #tpu.memory_space<vmem_shared>>)
        tpu.yield
      }) : () -> ()
    } else {
    }
    %eq3A_248 = arith.constant 1 : i32
    %eq3A_249 = arith.cmpi eq, %arg0, %eq3A_248 : i32
    %convert_element_type3A_250 = arith.extui %eq3A_249 : i1 to i32
    %cond3A_251 = arith.constant 0 : i32
    %cond3A_252 = arith.cmpi ne, %convert_element_type3A_250, %cond3A_251 : i32
    scf.if %cond3A_252 {
      "tpu.region"() ({
        %run_scoped3A_293 = tpu.sem_alloc : memref<!tpu.dma_semaphore, #tpu.memory_space<semaphore_mem>>
        %dma_start3A_294 = arith.constant 0 : i32
        %dma_start3A_295 = arith.constant 0 : i32
        %dma_start3A_296 = tpu.memref_slice %arg10[%dma_start3A_294, %dma_start3A_295] : memref<200x64xi32, #tpu.memory_space<vmem>> -> memref<114x64xi32, #tpu.memory_space<vmem>>
        %dma_start3A_297 = arith.constant 0 : i32
        %dma_start3A_298 = tpu.memref_slice %arg2[%select_n3A, %dma_start3A_297] : memref<5024x64xi32, #tpu.memory_space<hbm>> -> memref<114x64xi32, #tpu.memory_space<hbm>>
        %dma_start3A_299 = arith.constant 0 : i32
        %dma_start3A_300 = arith.constant 0 : i32
        %dma_start3A_301 = tpu.memref_slice %arg10[%dma_start3A_299, %dma_start3A_300] : memref<200x64xi32, #tpu.memory_space<vmem>> -> memref<114x64xi32, #tpu.memory_space<vmem>>
        %dma_start3A_302 = arith.constant 0 : i32
        %dma_start3A_303 = tpu.memref_slice %arg2[%select_n3A, %dma_start3A_302] : memref<5024x64xi32, #tpu.memory_space<hbm>> -> memref<114x64xi32, #tpu.memory_space<hbm>>
        tpu.enqueue_dma source(%dma_start3A_303 : memref<114x64xi32, #tpu.memory_space<hbm>>) target(%dma_start3A_301 : memref<114x64xi32, #tpu.memory_space<vmem>>) target_semaphore(%run_scoped3A_293 : memref<!tpu.dma_semaphore, #tpu.memory_space<semaphore_mem>>)
        %dma_wait3A_304 = arith.constant 0 : i32
        %dma_wait3A_305 = arith.constant 0 : i32
        %dma_wait3A_306 = tpu.memref_slice %arg10[%dma_wait3A_304, %dma_wait3A_305] : memref<200x64xi32, #tpu.memory_space<vmem>> -> memref<114x64xi32, #tpu.memory_space<vmem>>
        %dma_wait3A_307 = arith.constant 0 : i32
        %dma_wait3A_308 = tpu.memref_slice %arg2[%select_n3A, %dma_wait3A_307] : memref<5024x64xi32, #tpu.memory_space<hbm>> -> memref<114x64xi32, #tpu.memory_space<hbm>>
        %dma_wait3A_309 = arith.constant 0 : i32
        %dma_wait3A_310 = arith.constant 0 : i32
        %dma_wait3A_311 = tpu.memref_slice %arg10[%dma_wait3A_309, %dma_wait3A_310] : memref<200x64xi32, #tpu.memory_space<vmem>> -> memref<114x64xi32, #tpu.memory_space<vmem>>
        %dma_wait3A_312 = arith.constant 0 : i32
        %dma_wait3A_313 = tpu.memref_slice %arg2[%select_n3A, %dma_wait3A_312] : memref<5024x64xi32, #tpu.memory_space<hbm>> -> memref<114x64xi32, #tpu.memory_space<hbm>>
        tpu.wait_dma2 semaphore(%run_scoped3A_293 : memref<!tpu.dma_semaphore, #tpu.memory_space<semaphore_mem>>) src(%dma_wait3A_313 : memref<114x64xi32, #tpu.memory_space<hbm>>) dst(%dma_wait3A_311 : memref<114x64xi32, #tpu.memory_space<vmem>>)
        tpu.yield
      }) : () -> ()
      "tpu.region"() ({
        %run_scoped3A_293 = tpu.sem_alloc : memref<!tpu.dma_semaphore, #tpu.memory_space<semaphore_mem>>
        %dma_start3A_294 = arith.constant 0 : i32
        %dma_start3A_295 = arith.constant 0 : i32
        %dma_start3A_296 = tpu.memref_slice %arg11[%dma_start3A_294, %dma_start3A_295] : memref<200x64xi32, #tpu.memory_space<vmem>> -> memref<114x64xi32, #tpu.memory_space<vmem>>
        %dma_start3A_297 = arith.constant 0 : i32
        %dma_start3A_298 = tpu.memref_slice %arg3[%select_n3A, %dma_start3A_297] : memref<5024x64xi32, #tpu.memory_space<hbm>> -> memref<114x64xi32, #tpu.memory_space<hbm>>
        %dma_start3A_299 = arith.constant 0 : i32
        %dma_start3A_300 = arith.constant 0 : i32
        %dma_start3A_301 = tpu.memref_slice %arg11[%dma_start3A_299, %dma_start3A_300] : memref<200x64xi32, #tpu.memory_space<vmem>> -> memref<114x64xi32, #tpu.memory_space<vmem>>
        %dma_start3A_302 = arith.constant 0 : i32
        %dma_start3A_303 = tpu.memref_slice %arg3[%select_n3A, %dma_start3A_302] : memref<5024x64xi32, #tpu.memory_space<hbm>> -> memref<114x64xi32, #tpu.memory_space<hbm>>
        tpu.enqueue_dma source(%dma_start3A_303 : memref<114x64xi32, #tpu.memory_space<hbm>>) target(%dma_start3A_301 : memref<114x64xi32, #tpu.memory_space<vmem>>) target_semaphore(%run_scoped3A_293 : memref<!tpu.dma_semaphore, #tpu.memory_space<semaphore_mem>>)
        %dma_wait3A_304 = arith.constant 0 : i32
        %dma_wait3A_305 = arith.constant 0 : i32
        %dma_wait3A_306 = tpu.memref_slice %arg11[%dma_wait3A_304, %dma_wait3A_305] : memref<200x64xi32, #tpu.memory_space<vmem>> -> memref<114x64xi32, #tpu.memory_space<vmem>>
        %dma_wait3A_307 = arith.constant 0 : i32
        %dma_wait3A_308 = tpu.memref_slice %arg3[%select_n3A, %dma_wait3A_307] : memref<5024x64xi32, #tpu.memory_space<hbm>> -> memref<114x64xi32, #tpu.memory_space<hbm>>
        %dma_wait3A_309 = arith.constant 0 : i32
        %dma_wait3A_310 = arith.constant 0 : i32
        %dma_wait3A_311 = tpu.memref_slice %arg11[%dma_wait3A_309, %dma_wait3A_310] : memref<200x64xi32, #tpu.memory_space<vmem>> -> memref<114x64xi32, #tpu.memory_space<vmem>>
        %dma_wait3A_312 = arith.constant 0 : i32
        %dma_wait3A_313 = tpu.memref_slice %arg3[%select_n3A, %dma_wait3A_312] : memref<5024x64xi32, #tpu.memory_space<hbm>> -> memref<114x64xi32, #tpu.memory_space<hbm>>
        tpu.wait_dma2 semaphore(%run_scoped3A_293 : memref<!tpu.dma_semaphore, #tpu.memory_space<semaphore_mem>>) src(%dma_wait3A_313 : memref<114x64xi32, #tpu.memory_space<hbm>>) dst(%dma_wait3A_311 : memref<114x64xi32, #tpu.memory_space<vmem>>)
        tpu.yield
      }) : () -> ()
      %dma_start3A_257 = arith.constant 0 : i32
      %dma_start3A_258 = arith.constant 0 : i32
      %dma_start3A_259 = tpu.memref_slice %arg10[%dma_start3A_257, %dma_start3A_258] : memref<200x64xi32, #tpu.memory_space<vmem>> -> memref<1x64xi32, #tpu.memory_space<vmem>>
      %dma_start3A_260 = tpu.memref_squeeze %dma_start3A_259 : memref<1x64xi32, #tpu.memory_space<vmem>> -> memref<64xi32, #tpu.memory_space<vmem>>
      %dma_start3A_261 = arith.constant 0 : i32
      %dma_start3A_262 = arith.constant 0 : i32
      %dma_start3A_263 = tpu.memref_slice %arg4[%dma_start3A_261, %dma_start3A_262] : memref<10000x128xf32, #tpu.memory_space<hbm>> -> memref<10000x128xf32, #tpu.memory_space<hbm>>
      tpu.enqueue_indirect_dma source(%dma_start3A_263 : memref<10000x128xf32, #tpu.memory_space<hbm>>) target(%arg12 : memref<64x128xf32, #tpu.memory_space<vmem>>) offsets(%dma_start3A_260 : memref<64xi32, #tpu.memory_space<vmem>>) semaphore(%arg18 : memref<!tpu.dma_semaphore, #tpu.memory_space<semaphore_mem>>)
      %dma_start3A_264 = arith.constant 1 : i32
      %dma_start3A_265 = arith.constant 0 : i32
      %dma_start3A_266 = tpu.memref_slice %arg10[%dma_start3A_264, %dma_start3A_265] : memref<200x64xi32, #tpu.memory_space<vmem>> -> memref<1x64xi32, #tpu.memory_space<vmem>>
      %dma_start3A_267 = tpu.memref_squeeze %dma_start3A_266 : memref<1x64xi32, #tpu.memory_space<vmem>> -> memref<64xi32, #tpu.memory_space<vmem>>
      %dma_start3A_268 = arith.constant 0 : i32
      %dma_start3A_269 = arith.constant 0 : i32
      %dma_start3A_270 = tpu.memref_slice %arg4[%dma_start3A_268, %dma_start3A_269] : memref<10000x128xf32, #tpu.memory_space<hbm>> -> memref<10000x128xf32, #tpu.memory_space<hbm>>
      tpu.enqueue_indirect_dma source(%dma_start3A_270 : memref<10000x128xf32, #tpu.memory_space<hbm>>) target(%arg13 : memref<64x128xf32, #tpu.memory_space<vmem>>) offsets(%dma_start3A_267 : memref<64xi32, #tpu.memory_space<vmem>>) semaphore(%arg19 : memref<!tpu.dma_semaphore, #tpu.memory_space<semaphore_mem>>)
      %scan3A = arith.constant 0 : i32
      %scan3A_271 = arith.constant 0 : i32
      %scan3A_272 = arith.constant 56 : i32
      %scan3A_273 = arith.addi %scan3A_271, %scan3A_272 : i32
      %scan3A_274 = arith.constant 1 : i32
      scf.for %scan3A_293 = %scan3A_271 to %scan3A_273 step %scan3A_274  : i32 {
        %mul3A_294 = arith.constant 2 : i32
        %mul3A_295 = arith.muli %scan3A_293, %mul3A_294 : i32
        %dma_wait3A_296 = arith.constant 0 : i32
        %dma_wait3A_297 = tpu.memref_slice %arg10[%mul3A_295, %dma_wait3A_296] : memref<200x64xi32, #tpu.memory_space<vmem>> -> memref<1x64xi32, #tpu.memory_space<vmem>>
        %dma_wait3A_298 = tpu.memref_squeeze %dma_wait3A_297 : memref<1x64xi32, #tpu.memory_space<vmem>> -> memref<64xi32, #tpu.memory_space<vmem>>
        %dma_wait3A_299 = arith.constant 0 : i32
        %dma_wait3A_300 = arith.constant 0 : i32
        %dma_wait3A_301 = tpu.memref_slice %arg4[%dma_wait3A_299, %dma_wait3A_300] : memref<10000x128xf32, #tpu.memory_space<hbm>> -> memref<10000x128xf32, #tpu.memory_space<hbm>>
        tpu.wait_indirect_dma semaphore(%arg18 : memref<!tpu.dma_semaphore, #tpu.memory_space<semaphore_mem>>) src(%dma_wait3A_301 : memref<10000x128xf32, #tpu.memory_space<hbm>>) dst(%arg12 : memref<64x128xf32, #tpu.memory_space<vmem>>)
        "tpu.region"() ({
          %run_scoped3A_326 = tpu.sem_alloc : memref<!tpu.dma_semaphore, #tpu.memory_space<semaphore_mem>>
          %dma_start3A_327 = arith.constant 0 : i32
          %dma_start3A_328 = tpu.memref_slice %arg11[%mul3A_295, %dma_start3A_327] : memref<200x64xi32, #tpu.memory_space<vmem>> -> memref<1x64xi32, #tpu.memory_space<vmem>>
          %dma_start3A_329 = tpu.memref_squeeze %dma_start3A_328 : memref<1x64xi32, #tpu.memory_space<vmem>> -> memref<64xi32, #tpu.memory_space<vmem>>
          %dma_start3A_330 = arith.constant 0 : i32
          %dma_start3A_331 = arith.constant 0 : i32
          %dma_start3A_332 = tpu.memref_slice %arg16[%dma_start3A_330, %dma_start3A_331] : memref<10112x128xf32, #tpu.memory_space<vmem_shared>> -> memref<10112x128xf32, #tpu.memory_space<vmem_shared>>
          tpu.enqueue_indirect_dma source(%arg12 : memref<64x128xf32, #tpu.memory_space<vmem>>) target(%dma_start3A_332 : memref<10112x128xf32, #tpu.memory_space<vmem_shared>>) offsets(%dma_start3A_329 : memref<64xi32, #tpu.memory_space<vmem>>) semaphore(%run_scoped3A_326 : memref<!tpu.dma_semaphore, #tpu.memory_space<semaphore_mem>>) {add = true}
          %dma_wait3A_333 = arith.constant 0 : i32
          %dma_wait3A_334 = tpu.memref_slice %arg11[%mul3A_295, %dma_wait3A_333] : memref<200x64xi32, #tpu.memory_space<vmem>> -> memref<1x64xi32, #tpu.memory_space<vmem>>
          %dma_wait3A_335 = tpu.memref_squeeze %dma_wait3A_334 : memref<1x64xi32, #tpu.memory_space<vmem>> -> memref<64xi32, #tpu.memory_space<vmem>>
          %dma_wait3A_336 = arith.constant 0 : i32
          %dma_wait3A_337 = arith.constant 0 : i32
          %dma_wait3A_338 = tpu.memref_slice %arg16[%dma_wait3A_336, %dma_wait3A_337] : memref<10112x128xf32, #tpu.memory_space<vmem_shared>> -> memref<10112x128xf32, #tpu.memory_space<vmem_shared>>
          tpu.wait_indirect_dma semaphore(%run_scoped3A_326 : memref<!tpu.dma_semaphore, #tpu.memory_space<semaphore_mem>>) src(%arg12 : memref<64x128xf32, #tpu.memory_space<vmem>>) dst(%dma_wait3A_338 : memref<10112x128xf32, #tpu.memory_space<vmem_shared>>)
          tpu.yield
        }) : () -> ()
        "tpu.region"() ({
          %run_scoped3A_326 = tpu.sem_alloc : memref<!tpu.dma_semaphore, #tpu.memory_space<semaphore_mem>>
          %dma_start3A_327 = arith.constant 0 : i32
          %dma_start3A_328 = tpu.memref_slice %arg11[%mul3A_295, %dma_start3A_327] : memref<200x64xi32, #tpu.memory_space<vmem>> -> memref<1x64xi32, #tpu.memory_space<vmem>>
          %dma_start3A_329 = tpu.memref_squeeze %dma_start3A_328 : memref<1x64xi32, #tpu.memory_space<vmem>> -> memref<64xi32, #tpu.memory_space<vmem>>
          %dma_start3A_330 = arith.constant 0 : i32
          %dma_start3A_331 = tpu.memref_slice %arg17[%dma_start3A_330] : memref<10112xf32, #tpu.memory_space<vmem_shared>> -> memref<10112xf32, #tpu.memory_space<vmem_shared>>
          tpu.enqueue_indirect_dma source(%arg14 : memref<64xf32, #tpu.memory_space<vmem>>) target(%dma_start3A_331 : memref<10112xf32, #tpu.memory_space<vmem_shared>>) offsets(%dma_start3A_329 : memref<64xi32, #tpu.memory_space<vmem>>) semaphore(%run_scoped3A_326 : memref<!tpu.dma_semaphore, #tpu.memory_space<semaphore_mem>>) {add = true}
          %dma_wait3A_332 = arith.constant 0 : i32
          %dma_wait3A_333 = tpu.memref_slice %arg11[%mul3A_295, %dma_wait3A_332] : memref<200x64xi32, #tpu.memory_space<vmem>> -> memref<1x64xi32, #tpu.memory_space<vmem>>
          %dma_wait3A_334 = tpu.memref_squeeze %dma_wait3A_333 : memref<1x64xi32, #tpu.memory_space<vmem>> -> memref<64xi32, #tpu.memory_space<vmem>>
          %dma_wait3A_335 = arith.constant 0 : i32
          %dma_wait3A_336 = tpu.memref_slice %arg17[%dma_wait3A_335] : memref<10112xf32, #tpu.memory_space<vmem_shared>> -> memref<10112xf32, #tpu.memory_space<vmem_shared>>
          tpu.wait_indirect_dma semaphore(%run_scoped3A_326 : memref<!tpu.dma_semaphore, #tpu.memory_space<semaphore_mem>>) src(%arg14 : memref<64xf32, #tpu.memory_space<vmem>>) dst(%dma_wait3A_336 : memref<10112xf32, #tpu.memory_space<vmem_shared>>)
          tpu.yield
        }) : () -> ()
        %add3A_302 = arith.constant 2 : i32
        %add3A_303 = arith.addi %mul3A_295, %add3A_302 : i32
        %dma_start3A_304 = arith.constant 0 : i32
        %dma_start3A_305 = tpu.memref_slice %arg10[%add3A_303, %dma_start3A_304] : memref<200x64xi32, #tpu.memory_space<vmem>> -> memref<1x64xi32, #tpu.memory_space<vmem>>
        %dma_start3A_306 = tpu.memref_squeeze %dma_start3A_305 : memref<1x64xi32, #tpu.memory_space<vmem>> -> memref<64xi32, #tpu.memory_space<vmem>>
        %dma_start3A_307 = arith.constant 0 : i32
        %dma_start3A_308 = arith.constant 0 : i32
        %dma_start3A_309 = tpu.memref_slice %arg4[%dma_start3A_307, %dma_start3A_308] : memref<10000x128xf32, #tpu.memory_space<hbm>> -> memref<10000x128xf32, #tpu.memory_space<hbm>>
        tpu.enqueue_indirect_dma source(%dma_start3A_309 : memref<10000x128xf32, #tpu.memory_space<hbm>>) target(%arg12 : memref<64x128xf32, #tpu.memory_space<vmem>>) offsets(%dma_start3A_306 : memref<64xi32, #tpu.memory_space<vmem>>) semaphore(%arg18 : memref<!tpu.dma_semaphore, #tpu.memory_space<semaphore_mem>>)
        %add3A_310 = arith.constant 1 : i32
        %add3A_311 = arith.addi %mul3A_295, %add3A_310 : i32
        %dma_wait3A_312 = arith.constant 0 : i32
        %dma_wait3A_313 = tpu.memref_slice %arg10[%add3A_311, %dma_wait3A_312] : memref<200x64xi32, #tpu.memory_space<vmem>> -> memref<1x64xi32, #tpu.memory_space<vmem>>
        %dma_wait3A_314 = tpu.memref_squeeze %dma_wait3A_313 : memref<1x64xi32, #tpu.memory_space<vmem>> -> memref<64xi32, #tpu.memory_space<vmem>>
        %dma_wait3A_315 = arith.constant 0 : i32
        %dma_wait3A_316 = arith.constant 0 : i32
        %dma_wait3A_317 = tpu.memref_slice %arg4[%dma_wait3A_315, %dma_wait3A_316] : memref<10000x128xf32, #tpu.memory_space<hbm>> -> memref<10000x128xf32, #tpu.memory_space<hbm>>
        tpu.wait_indirect_dma semaphore(%arg19 : memref<!tpu.dma_semaphore, #tpu.memory_space<semaphore_mem>>) src(%dma_wait3A_317 : memref<10000x128xf32, #tpu.memory_space<hbm>>) dst(%arg13 : memref<64x128xf32, #tpu.memory_space<vmem>>)
        "tpu.region"() ({
          %run_scoped3A_326 = tpu.sem_alloc : memref<!tpu.dma_semaphore, #tpu.memory_space<semaphore_mem>>
          %dma_start3A_327 = arith.constant 0 : i32
          %dma_start3A_328 = tpu.memref_slice %arg11[%add3A_311, %dma_start3A_327] : memref<200x64xi32, #tpu.memory_space<vmem>> -> memref<1x64xi32, #tpu.memory_space<vmem>>
          %dma_start3A_329 = tpu.memref_squeeze %dma_start3A_328 : memref<1x64xi32, #tpu.memory_space<vmem>> -> memref<64xi32, #tpu.memory_space<vmem>>
          %dma_start3A_330 = arith.constant 0 : i32
          %dma_start3A_331 = arith.constant 0 : i32
          %dma_start3A_332 = tpu.memref_slice %arg16[%dma_start3A_330, %dma_start3A_331] : memref<10112x128xf32, #tpu.memory_space<vmem_shared>> -> memref<10112x128xf32, #tpu.memory_space<vmem_shared>>
          tpu.enqueue_indirect_dma source(%arg13 : memref<64x128xf32, #tpu.memory_space<vmem>>) target(%dma_start3A_332 : memref<10112x128xf32, #tpu.memory_space<vmem_shared>>) offsets(%dma_start3A_329 : memref<64xi32, #tpu.memory_space<vmem>>) semaphore(%run_scoped3A_326 : memref<!tpu.dma_semaphore, #tpu.memory_space<semaphore_mem>>) {add = true}
          %dma_wait3A_333 = arith.constant 0 : i32
          %dma_wait3A_334 = tpu.memref_slice %arg11[%add3A_311, %dma_wait3A_333] : memref<200x64xi32, #tpu.memory_space<vmem>> -> memref<1x64xi32, #tpu.memory_space<vmem>>
          %dma_wait3A_335 = tpu.memref_squeeze %dma_wait3A_334 : memref<1x64xi32, #tpu.memory_space<vmem>> -> memref<64xi32, #tpu.memory_space<vmem>>
          %dma_wait3A_336 = arith.constant 0 : i32
          %dma_wait3A_337 = arith.constant 0 : i32
          %dma_wait3A_338 = tpu.memref_slice %arg16[%dma_wait3A_336, %dma_wait3A_337] : memref<10112x128xf32, #tpu.memory_space<vmem_shared>> -> memref<10112x128xf32, #tpu.memory_space<vmem_shared>>
          tpu.wait_indirect_dma semaphore(%run_scoped3A_326 : memref<!tpu.dma_semaphore, #tpu.memory_space<semaphore_mem>>) src(%arg13 : memref<64x128xf32, #tpu.memory_space<vmem>>) dst(%dma_wait3A_338 : memref<10112x128xf32, #tpu.memory_space<vmem_shared>>)
          tpu.yield
        }) : () -> ()
        "tpu.region"() ({
          %run_scoped3A_326 = tpu.sem_alloc : memref<!tpu.dma_semaphore, #tpu.memory_space<semaphore_mem>>
          %dma_start3A_327 = arith.constant 0 : i32
          %dma_start3A_328 = tpu.memref_slice %arg11[%add3A_311, %dma_start3A_327] : memref<200x64xi32, #tpu.memory_space<vmem>> -> memref<1x64xi32, #tpu.memory_space<vmem>>
          %dma_start3A_329 = tpu.memref_squeeze %dma_start3A_328 : memref<1x64xi32, #tpu.memory_space<vmem>> -> memref<64xi32, #tpu.memory_space<vmem>>
          %dma_start3A_330 = arith.constant 0 : i32
          %dma_start3A_331 = tpu.memref_slice %arg17[%dma_start3A_330] : memref<10112xf32, #tpu.memory_space<vmem_shared>> -> memref<10112xf32, #tpu.memory_space<vmem_shared>>
          tpu.enqueue_indirect_dma source(%arg14 : memref<64xf32, #tpu.memory_space<vmem>>) target(%dma_start3A_331 : memref<10112xf32, #tpu.memory_space<vmem_shared>>) offsets(%dma_start3A_329 : memref<64xi32, #tpu.memory_space<vmem>>) semaphore(%run_scoped3A_326 : memref<!tpu.dma_semaphore, #tpu.memory_space<semaphore_mem>>) {add = true}
          %dma_wait3A_332 = arith.constant 0 : i32
          %dma_wait3A_333 = tpu.memref_slice %arg11[%add3A_311, %dma_wait3A_332] : memref<200x64xi32, #tpu.memory_space<vmem>> -> memref<1x64xi32, #tpu.memory_space<vmem>>
          %dma_wait3A_334 = tpu.memref_squeeze %dma_wait3A_333 : memref<1x64xi32, #tpu.memory_space<vmem>> -> memref<64xi32, #tpu.memory_space<vmem>>
          %dma_wait3A_335 = arith.constant 0 : i32
          %dma_wait3A_336 = tpu.memref_slice %arg17[%dma_wait3A_335] : memref<10112xf32, #tpu.memory_space<vmem_shared>> -> memref<10112xf32, #tpu.memory_space<vmem_shared>>
          tpu.wait_indirect_dma semaphore(%run_scoped3A_326 : memref<!tpu.dma_semaphore, #tpu.memory_space<semaphore_mem>>) src(%arg14 : memref<64xf32, #tpu.memory_space<vmem>>) dst(%dma_wait3A_336 : memref<10112xf32, #tpu.memory_space<vmem_shared>>)
          tpu.yield
        }) : () -> ()
        %add3A_318 = arith.constant 3 : i32
        %add3A_319 = arith.addi %mul3A_295, %add3A_318 : i32
        %dma_start3A_320 = arith.constant 0 : i32
        %dma_start3A_321 = tpu.memref_slice %arg10[%add3A_319, %dma_start3A_320] : memref<200x64xi32, #tpu.memory_space<vmem>> -> memref<1x64xi32, #tpu.memory_space<vmem>>
        %dma_start3A_322 = tpu.memref_squeeze %dma_start3A_321 : memref<1x64xi32, #tpu.memory_space<vmem>> -> memref<64xi32, #tpu.memory_space<vmem>>
        %dma_start3A_323 = arith.constant 0 : i32
        %dma_start3A_324 = arith.constant 0 : i32
        %dma_start3A_325 = tpu.memref_slice %arg4[%dma_start3A_323, %dma_start3A_324] : memref<10000x128xf32, #tpu.memory_space<hbm>> -> memref<10000x128xf32, #tpu.memory_space<hbm>>
        tpu.enqueue_indirect_dma source(%dma_start3A_325 : memref<10000x128xf32, #tpu.memory_space<hbm>>) target(%arg13 : memref<64x128xf32, #tpu.memory_space<vmem>>) offsets(%dma_start3A_322 : memref<64xi32, #tpu.memory_space<vmem>>) semaphore(%arg19 : memref<!tpu.dma_semaphore, #tpu.memory_space<semaphore_mem>>)
      }
      %scan3A_275 = arith.constant 56 : i32
      %dma_wait3A_276 = arith.constant 112 : i32
      %dma_wait3A_277 = arith.constant 0 : i32
      %dma_wait3A_278 = tpu.memref_slice %arg10[%dma_wait3A_276, %dma_wait3A_277] : memref<200x64xi32, #tpu.memory_space<vmem>> -> memref<1x64xi32, #tpu.memory_space<vmem>>
      %dma_wait3A_279 = tpu.memref_squeeze %dma_wait3A_278 : memref<1x64xi32, #tpu.memory_space<vmem>> -> memref<64xi32, #tpu.memory_space<vmem>>
      %dma_wait3A_280 = arith.constant 0 : i32
      %dma_wait3A_281 = arith.constant 0 : i32
      %dma_wait3A_282 = tpu.memref_slice %arg4[%dma_wait3A_280, %dma_wait3A_281] : memref<10000x128xf32, #tpu.memory_space<hbm>> -> memref<10000x128xf32, #tpu.memory_space<hbm>>
      tpu.wait_indirect_dma semaphore(%arg18 : memref<!tpu.dma_semaphore, #tpu.memory_space<semaphore_mem>>) src(%dma_wait3A_282 : memref<10000x128xf32, #tpu.memory_space<hbm>>) dst(%arg12 : memref<64x128xf32, #tpu.memory_space<vmem>>)
      %run_scoped3A = arith.constant 112 : i32
      "tpu.region"() ({
        %run_scoped3A_293 = tpu.sem_alloc : memref<!tpu.dma_semaphore, #tpu.memory_space<semaphore_mem>>
        %dma_start3A_294 = arith.constant 0 : i32
        %dma_start3A_295 = tpu.memref_slice %arg11[%run_scoped3A, %dma_start3A_294] : memref<200x64xi32, #tpu.memory_space<vmem>> -> memref<1x64xi32, #tpu.memory_space<vmem>>
        %dma_start3A_296 = tpu.memref_squeeze %dma_start3A_295 : memref<1x64xi32, #tpu.memory_space<vmem>> -> memref<64xi32, #tpu.memory_space<vmem>>
        %dma_start3A_297 = arith.constant 0 : i32
        %dma_start3A_298 = arith.constant 0 : i32
        %dma_start3A_299 = tpu.memref_slice %arg16[%dma_start3A_297, %dma_start3A_298] : memref<10112x128xf32, #tpu.memory_space<vmem_shared>> -> memref<10112x128xf32, #tpu.memory_space<vmem_shared>>
        tpu.enqueue_indirect_dma source(%arg12 : memref<64x128xf32, #tpu.memory_space<vmem>>) target(%dma_start3A_299 : memref<10112x128xf32, #tpu.memory_space<vmem_shared>>) offsets(%dma_start3A_296 : memref<64xi32, #tpu.memory_space<vmem>>) semaphore(%run_scoped3A_293 : memref<!tpu.dma_semaphore, #tpu.memory_space<semaphore_mem>>) {add = true}
        %dma_wait3A_300 = arith.constant 0 : i32
        %dma_wait3A_301 = tpu.memref_slice %arg11[%run_scoped3A, %dma_wait3A_300] : memref<200x64xi32, #tpu.memory_space<vmem>> -> memref<1x64xi32, #tpu.memory_space<vmem>>
        %dma_wait3A_302 = tpu.memref_squeeze %dma_wait3A_301 : memref<1x64xi32, #tpu.memory_space<vmem>> -> memref<64xi32, #tpu.memory_space<vmem>>
        %dma_wait3A_303 = arith.constant 0 : i32
        %dma_wait3A_304 = arith.constant 0 : i32
        %dma_wait3A_305 = tpu.memref_slice %arg16[%dma_wait3A_303, %dma_wait3A_304] : memref<10112x128xf32, #tpu.memory_space<vmem_shared>> -> memref<10112x128xf32, #tpu.memory_space<vmem_shared>>
        tpu.wait_indirect_dma semaphore(%run_scoped3A_293 : memref<!tpu.dma_semaphore, #tpu.memory_space<semaphore_mem>>) src(%arg12 : memref<64x128xf32, #tpu.memory_space<vmem>>) dst(%dma_wait3A_305 : memref<10112x128xf32, #tpu.memory_space<vmem_shared>>)
        tpu.yield
      }) : () -> ()
      %run_scoped3A_283 = arith.constant 112 : i32
      "tpu.region"() ({
        %run_scoped3A_293 = tpu.sem_alloc : memref<!tpu.dma_semaphore, #tpu.memory_space<semaphore_mem>>
        %dma_start3A_294 = arith.constant 0 : i32
        %dma_start3A_295 = tpu.memref_slice %arg11[%run_scoped3A_283, %dma_start3A_294] : memref<200x64xi32, #tpu.memory_space<vmem>> -> memref<1x64xi32, #tpu.memory_space<vmem>>
        %dma_start3A_296 = tpu.memref_squeeze %dma_start3A_295 : memref<1x64xi32, #tpu.memory_space<vmem>> -> memref<64xi32, #tpu.memory_space<vmem>>
        %dma_start3A_297 = arith.constant 0 : i32
        %dma_start3A_298 = tpu.memref_slice %arg17[%dma_start3A_297] : memref<10112xf32, #tpu.memory_space<vmem_shared>> -> memref<10112xf32, #tpu.memory_space<vmem_shared>>
        tpu.enqueue_indirect_dma source(%arg14 : memref<64xf32, #tpu.memory_space<vmem>>) target(%dma_start3A_298 : memref<10112xf32, #tpu.memory_space<vmem_shared>>) offsets(%dma_start3A_296 : memref<64xi32, #tpu.memory_space<vmem>>) semaphore(%run_scoped3A_293 : memref<!tpu.dma_semaphore, #tpu.memory_space<semaphore_mem>>) {add = true}
        %dma_wait3A_299 = arith.constant 0 : i32
        %dma_wait3A_300 = tpu.memref_slice %arg11[%run_scoped3A_283, %dma_wait3A_299] : memref<200x64xi32, #tpu.memory_space<vmem>> -> memref<1x64xi32, #tpu.memory_space<vmem>>
        %dma_wait3A_301 = tpu.memref_squeeze %dma_wait3A_300 : memref<1x64xi32, #tpu.memory_space<vmem>> -> memref<64xi32, #tpu.memory_space<vmem>>
        %dma_wait3A_302 = arith.constant 0 : i32
        %dma_wait3A_303 = tpu.memref_slice %arg17[%dma_wait3A_302] : memref<10112xf32, #tpu.memory_space<vmem_shared>> -> memref<10112xf32, #tpu.memory_space<vmem_shared>>
        tpu.wait_indirect_dma semaphore(%run_scoped3A_293 : memref<!tpu.dma_semaphore, #tpu.memory_space<semaphore_mem>>) src(%arg14 : memref<64xf32, #tpu.memory_space<vmem>>) dst(%dma_wait3A_303 : memref<10112xf32, #tpu.memory_space<vmem_shared>>)
        tpu.yield
      }) : () -> ()
      %dma_wait3A_284 = arith.constant 113 : i32
      %dma_wait3A_285 = arith.constant 0 : i32
      %dma_wait3A_286 = tpu.memref_slice %arg10[%dma_wait3A_284, %dma_wait3A_285] : memref<200x64xi32, #tpu.memory_space<vmem>> -> memref<1x64xi32, #tpu.memory_space<vmem>>
      %dma_wait3A_287 = tpu.memref_squeeze %dma_wait3A_286 : memref<1x64xi32, #tpu.memory_space<vmem>> -> memref<64xi32, #tpu.memory_space<vmem>>
      %dma_wait3A_288 = arith.constant 0 : i32
      %dma_wait3A_289 = arith.constant 0 : i32
      %dma_wait3A_290 = tpu.memref_slice %arg4[%dma_wait3A_288, %dma_wait3A_289] : memref<10000x128xf32, #tpu.memory_space<hbm>> -> memref<10000x128xf32, #tpu.memory_space<hbm>>
      tpu.wait_indirect_dma semaphore(%arg19 : memref<!tpu.dma_semaphore, #tpu.memory_space<semaphore_mem>>) src(%dma_wait3A_290 : memref<10000x128xf32, #tpu.memory_space<hbm>>) dst(%arg13 : memref<64x128xf32, #tpu.memory_space<vmem>>)
      %run_scoped3A_291 = arith.constant 113 : i32
      "tpu.region"() ({
        %run_scoped3A_293 = tpu.sem_alloc : memref<!tpu.dma_semaphore, #tpu.memory_space<semaphore_mem>>
        %dma_start3A_294 = arith.constant 0 : i32
        %dma_start3A_295 = tpu.memref_slice %arg11[%run_scoped3A_291, %dma_start3A_294] : memref<200x64xi32, #tpu.memory_space<vmem>> -> memref<1x64xi32, #tpu.memory_space<vmem>>
        %dma_start3A_296 = tpu.memref_squeeze %dma_start3A_295 : memref<1x64xi32, #tpu.memory_space<vmem>> -> memref<64xi32, #tpu.memory_space<vmem>>
        %dma_start3A_297 = arith.constant 0 : i32
        %dma_start3A_298 = arith.constant 0 : i32
        %dma_start3A_299 = tpu.memref_slice %arg16[%dma_start3A_297, %dma_start3A_298] : memref<10112x128xf32, #tpu.memory_space<vmem_shared>> -> memref<10112x128xf32, #tpu.memory_space<vmem_shared>>
        tpu.enqueue_indirect_dma source(%arg13 : memref<64x128xf32, #tpu.memory_space<vmem>>) target(%dma_start3A_299 : memref<10112x128xf32, #tpu.memory_space<vmem_shared>>) offsets(%dma_start3A_296 : memref<64xi32, #tpu.memory_space<vmem>>) semaphore(%run_scoped3A_293 : memref<!tpu.dma_semaphore, #tpu.memory_space<semaphore_mem>>) {add = true}
        %dma_wait3A_300 = arith.constant 0 : i32
        %dma_wait3A_301 = tpu.memref_slice %arg11[%run_scoped3A_291, %dma_wait3A_300] : memref<200x64xi32, #tpu.memory_space<vmem>> -> memref<1x64xi32, #tpu.memory_space<vmem>>
        %dma_wait3A_302 = tpu.memref_squeeze %dma_wait3A_301 : memref<1x64xi32, #tpu.memory_space<vmem>> -> memref<64xi32, #tpu.memory_space<vmem>>
        %dma_wait3A_303 = arith.constant 0 : i32
        %dma_wait3A_304 = arith.constant 0 : i32
        %dma_wait3A_305 = tpu.memref_slice %arg16[%dma_wait3A_303, %dma_wait3A_304] : memref<10112x128xf32, #tpu.memory_space<vmem_shared>> -> memref<10112x128xf32, #tpu.memory_space<vmem_shared>>
        tpu.wait_indirect_dma semaphore(%run_scoped3A_293 : memref<!tpu.dma_semaphore, #tpu.memory_space<semaphore_mem>>) src(%arg13 : memref<64x128xf32, #tpu.memory_space<vmem>>) dst(%dma_wait3A_305 : memref<10112x128xf32, #tpu.memory_space<vmem_shared>>)
        tpu.yield
      }) : () -> ()
      %run_scoped3A_292 = arith.constant 113 : i32
      "tpu.region"() ({
        %run_scoped3A_293 = tpu.sem_alloc : memref<!tpu.dma_semaphore, #tpu.memory_space<semaphore_mem>>
        %dma_start3A_294 = arith.constant 0 : i32
        %dma_start3A_295 = tpu.memref_slice %arg11[%run_scoped3A_292, %dma_start3A_294] : memref<200x64xi32, #tpu.memory_space<vmem>> -> memref<1x64xi32, #tpu.memory_space<vmem>>
        %dma_start3A_296 = tpu.memref_squeeze %dma_start3A_295 : memref<1x64xi32, #tpu.memory_space<vmem>> -> memref<64xi32, #tpu.memory_space<vmem>>
        %dma_start3A_297 = arith.constant 0 : i32
        %dma_start3A_298 = tpu.memref_slice %arg17[%dma_start3A_297] : memref<10112xf32, #tpu.memory_space<vmem_shared>> -> memref<10112xf32, #tpu.memory_space<vmem_shared>>
        tpu.enqueue_indirect_dma source(%arg14 : memref<64xf32, #tpu.memory_space<vmem>>) target(%dma_start3A_298 : memref<10112xf32, #tpu.memory_space<vmem_shared>>) offsets(%dma_start3A_296 : memref<64xi32, #tpu.memory_space<vmem>>) semaphore(%run_scoped3A_293 : memref<!tpu.dma_semaphore, #tpu.memory_space<semaphore_mem>>) {add = true}
        %dma_wait3A_299 = arith.constant 0 : i32
        %dma_wait3A_300 = tpu.memref_slice %arg11[%run_scoped3A_292, %dma_wait3A_299] : memref<200x64xi32, #tpu.memory_space<vmem>> -> memref<1x64xi32, #tpu.memory_space<vmem>>
        %dma_wait3A_301 = tpu.memref_squeeze %dma_wait3A_300 : memref<1x64xi32, #tpu.memory_space<vmem>> -> memref<64xi32, #tpu.memory_space<vmem>>
        %dma_wait3A_302 = arith.constant 0 : i32
        %dma_wait3A_303 = tpu.memref_slice %arg17[%dma_wait3A_302] : memref<10112xf32, #tpu.memory_space<vmem_shared>> -> memref<10112xf32, #tpu.memory_space<vmem_shared>>
        tpu.wait_indirect_dma semaphore(%run_scoped3A_293 : memref<!tpu.dma_semaphore, #tpu.memory_space<semaphore_mem>>) src(%arg14 : memref<64xf32, #tpu.memory_space<vmem>>) dst(%dma_wait3A_303 : memref<10112xf32, #tpu.memory_space<vmem_shared>>)
        tpu.yield
      }) : () -> ()
    } else {
    }
    %barrier3A_253 = arith.constant 0 : index
    tpu.barrier barrier_id(%barrier3A_253)
    "tpu.region"() ({
      %run_scoped3A = tpu.sem_alloc : memref<!tpu.dma_semaphore, #tpu.memory_space<semaphore_mem>>
      %dma_start3A_257 = arith.constant 0 : i32
      %dma_start3A_258 = tpu.memref_slice %arg8[%arg0, %mul3A_6, %dma_start3A_257] : memref<2x10112x128xf32, #tpu.memory_space<hbm>> -> memref<1x632x128xf32, #tpu.memory_space<hbm>>
      %dma_start3A_259 = tpu.memref_squeeze %dma_start3A_258 : memref<1x632x128xf32, #tpu.memory_space<hbm>> -> memref<632x128xf32, #tpu.memory_space<hbm>>
      %dma_start3A_260 = arith.constant 0 : i32
      %dma_start3A_261 = tpu.memref_slice %arg16[%mul3A_6, %dma_start3A_260] : memref<10112x128xf32, #tpu.memory_space<vmem_shared>> -> memref<632x128xf32, #tpu.memory_space<vmem_shared>>
      tpu.enqueue_dma source(%dma_start3A_261 : memref<632x128xf32, #tpu.memory_space<vmem_shared>>) target(%dma_start3A_259 : memref<632x128xf32, #tpu.memory_space<hbm>>) target_semaphore(%run_scoped3A : memref<!tpu.dma_semaphore, #tpu.memory_space<semaphore_mem>>)
      %dma_wait3A_262 = arith.constant 0 : i32
      %dma_wait3A_263 = tpu.memref_slice %arg8[%arg0, %mul3A_6, %dma_wait3A_262] : memref<2x10112x128xf32, #tpu.memory_space<hbm>> -> memref<1x632x128xf32, #tpu.memory_space<hbm>>
      %dma_wait3A_264 = tpu.memref_squeeze %dma_wait3A_263 : memref<1x632x128xf32, #tpu.memory_space<hbm>> -> memref<632x128xf32, #tpu.memory_space<hbm>>
      %dma_wait3A_265 = arith.constant 0 : i32
      %dma_wait3A_266 = tpu.memref_slice %arg16[%mul3A_6, %dma_wait3A_265] : memref<10112x128xf32, #tpu.memory_space<vmem_shared>> -> memref<632x128xf32, #tpu.memory_space<vmem_shared>>
      tpu.wait_dma2 semaphore(%run_scoped3A : memref<!tpu.dma_semaphore, #tpu.memory_space<semaphore_mem>>) src(%dma_wait3A_266 : memref<632x128xf32, #tpu.memory_space<vmem_shared>>) dst(%dma_wait3A_264 : memref<632x128xf32, #tpu.memory_space<hbm>>)
      tpu.yield
    }) : () -> ()
    "tpu.region"() ({
      %run_scoped3A = tpu.sem_alloc : memref<!tpu.dma_semaphore, #tpu.memory_space<semaphore_mem>>
      %dma_start3A_257 = tpu.memref_slice %arg17[%mul3A_6] : memref<10112xf32, #tpu.memory_space<vmem_shared>> -> memref<632xf32, #tpu.memory_space<vmem_shared>>
      %dma_start3A_258 = tpu.memref_slice %arg17[%mul3A_6] : memref<10112xf32, #tpu.memory_space<vmem_shared>> -> memref<632xf32, #tpu.memory_space<vmem_shared>>
      tpu.enqueue_dma source(%dma_start3A_258 : memref<632xf32, #tpu.memory_space<vmem_shared>>) target(%arg15 : memref<632xf32, #tpu.memory_space<vmem>>) target_semaphore(%run_scoped3A : memref<!tpu.dma_semaphore, #tpu.memory_space<semaphore_mem>>)
      %dma_wait3A_259 = tpu.memref_slice %arg17[%mul3A_6] : memref<10112xf32, #tpu.memory_space<vmem_shared>> -> memref<632xf32, #tpu.memory_space<vmem_shared>>
      %dma_wait3A_260 = tpu.memref_slice %arg17[%mul3A_6] : memref<10112xf32, #tpu.memory_space<vmem_shared>> -> memref<632xf32, #tpu.memory_space<vmem_shared>>
      tpu.wait_dma2 semaphore(%run_scoped3A : memref<!tpu.dma_semaphore, #tpu.memory_space<semaphore_mem>>) src(%dma_wait3A_260 : memref<632xf32, #tpu.memory_space<vmem_shared>>) dst(%arg15 : memref<632xf32, #tpu.memory_space<vmem>>)
      tpu.yield
    }) : () -> ()
    %mul3A_254 = arith.constant 10112 : i32
    %mul3A_255 = arith.muli %arg0, %mul3A_254 : i32
    %add3A_256 = arith.addi %mul3A_255, %mul3A_6 : i32
    "tpu.region"() ({
      %run_scoped3A = tpu.sem_alloc : memref<!tpu.dma_semaphore, #tpu.memory_space<semaphore_mem>>
      %dma_start3A_257 = tpu.memref_slice %arg9[%add3A_256] : memref<20224xf32, #tpu.memory_space<hbm>> -> memref<632xf32, #tpu.memory_space<hbm>>
      %dma_start3A_258 = tpu.memref_slice %arg9[%add3A_256] : memref<20224xf32, #tpu.memory_space<hbm>> -> memref<632xf32, #tpu.memory_space<hbm>>
      tpu.enqueue_dma source(%arg15 : memref<632xf32, #tpu.memory_space<vmem>>) target(%dma_start3A_258 : memref<632xf32, #tpu.memory_space<hbm>>) target_semaphore(%run_scoped3A : memref<!tpu.dma_semaphore, #tpu.memory_space<semaphore_mem>>)
      %dma_wait3A_259 = tpu.memref_slice %arg9[%add3A_256] : memref<20224xf32, #tpu.memory_space<hbm>> -> memref<632xf32, #tpu.memory_space<hbm>>
      %dma_wait3A_260 = tpu.memref_slice %arg9[%add3A_256] : memref<20224xf32, #tpu.memory_space<hbm>> -> memref<632xf32, #tpu.memory_space<hbm>>
      tpu.wait_dma2 semaphore(%run_scoped3A : memref<!tpu.dma_semaphore, #tpu.memory_space<semaphore_mem>>) src(%arg15 : memref<632xf32, #tpu.memory_space<vmem>>) dst(%dma_wait3A_260 : memref<632xf32, #tpu.memory_space<hbm>>)
      tpu.yield
    }) : () -> ()
    return
  }
}

module attributes {stable_mosaic.version = 14 : i64} {
  func.func @_tc_body(%arg0: i32, %arg1: memref<1024x128xf32, #tpu.memory_space<vmem>>, %arg2: memref<2x1024x128xf32, #tpu.memory_space<vmem>>, %arg3: memref<2x1024xf32, #tpu.memory_space<vmem>>, %arg4: memref<128x128xf32, #tpu.memory_space<vmem>>, %arg5: memref<1x128xf32, #tpu.memory_space<vmem>>, %arg6: memref<1024x128xf32, #tpu.memory_space<vmem>>) attributes {dimension_semantics = [#tpu.dimension_semantics<arbitrary>], iteration_bounds = array<i64: 10>, scalar_prefetch = 0 : i64, scratch_operands = 0 : i64, tpu.core_type = #tpu.core_type<tc>, window_params = [{transform_indices = @transform_0, window_bounds = array<i64: 1024, 128>}, {transform_indices = @transform_1, window_bounds = array<i64: 2, 1024, 128>}, {transform_indices = @transform_2, window_bounds = array<i64: 2, 1024>}, {pipeline_mode = #tpu.pipeline_mode<synchronous>, transform_indices = @transform_3, window_bounds = array<i64: 128, 128>}, {pipeline_mode = #tpu.pipeline_mode<synchronous>, transform_indices = @transform_4, window_bounds = array<i64: 1, 128>}, {transform_indices = @transform_5, window_bounds = array<i64: 1024, 128>}]} {
    %get3A = arith.constant 0 : index
    %get3A_0 = arith.constant 0 : index
    %get3A_1 = arith.constant 0 : index
    %get3A_2 = vector.load %arg2[%get3A, %get3A_0, %get3A_1] : memref<2x1024x128xf32, #tpu.memory_space<vmem>>, vector<1x1024x128xf32>
    %get3A_3 = vector.shape_cast %get3A_2 : vector<1x1024x128xf32> to vector<1024x128xf32>
    %get3A_4 = arith.constant 1 : index
    %get3A_5 = arith.constant 0 : index
    %get3A_6 = arith.constant 0 : index
    %get3A_7 = vector.load %arg2[%get3A_4, %get3A_5, %get3A_6] : memref<2x1024x128xf32, #tpu.memory_space<vmem>>, vector<1x1024x128xf32>
    %get3A_8 = vector.shape_cast %get3A_7 : vector<1x1024x128xf32> to vector<1024x128xf32>
    %add3A = arith.addf %get3A_3, %get3A_8 : vector<1024x128xf32>
    %get3A_9 = arith.constant 0 : index
    %get3A_10 = arith.constant 0 : index
    %get3A_11 = vector.load %arg3[%get3A_9, %get3A_10] : memref<2x1024xf32, #tpu.memory_space<vmem>>, vector<1x1024xf32>
    %get3A_12 = vector.shape_cast %get3A_11 : vector<1x1024xf32> to vector<1024xf32>
    %get3A_13 = arith.constant 1 : index
    %get3A_14 = arith.constant 0 : index
    %get3A_15 = vector.load %arg3[%get3A_13, %get3A_14] : memref<2x1024xf32, #tpu.memory_space<vmem>>, vector<1x1024xf32>
    %get3A_16 = vector.shape_cast %get3A_15 : vector<1x1024xf32> to vector<1024xf32>
    %add3A_17 = arith.addf %get3A_12, %get3A_16 : vector<1024xf32>
    %broadcast_in_dim3A = vector.shape_cast %add3A_17 : vector<1024xf32> to vector<1024x1xf32>
    %get3A_18 = arith.constant 0 : index
    %get3A_19 = arith.constant 0 : index
    %get3A_20 = vector.load %arg4[%get3A_18, %get3A_19] : memref<128x128xf32, #tpu.memory_space<vmem>>, vector<128x128xf32>
    %dot_general3A = arith.constant dense<0.000000e+00> : vector<1024x128xf32>
    %dot_general3A_21 = tpu.matmul %add3A, %get3A_20, %dot_general3A {dimension_numbers = #tpu.dot_dimension_numbers<[1], [1], [0], [0], [0, 0, 1, 0], [], []>, transpose_lhs_hint = false} : vector<1024x128xf32>, vector<128x128xf32>, vector<1024x128xf32> -> vector<1024x128xf32>
    %get3A_22 = arith.constant 0 : index
    %get3A_23 = arith.constant 0 : index
    %get3A_24 = vector.load %arg5[%get3A_22, %get3A_23] : memref<1x128xf32, #tpu.memory_space<vmem>>, vector<1x128xf32>
    %mul3A = vector.broadcast %broadcast_in_dim3A : vector<1024x1xf32> to vector<1024x128xf32>
    %mul3A_25 = vector.broadcast %get3A_24 : vector<1x128xf32> to vector<1024x128xf32>
    %mul3A_26 = arith.mulf %mul3A, %mul3A_25 : vector<1024x128xf32>
    %add3A_27 = arith.addf %dot_general3A_21, %mul3A_26 : vector<1024x128xf32>
    %get3A_28 = arith.constant 0 : index
    %get3A_29 = arith.constant 0 : index
    %get3A_30 = vector.load %arg1[%get3A_28, %get3A_29] : memref<1024x128xf32, #tpu.memory_space<vmem>>, vector<1024x128xf32>
    %max3A = arith.constant 1.000000e+00 : f32
    %max3A_31 = vector.broadcast %max3A : f32 to vector<1024x1xf32>
    %max3A_32 = arith.maximumf %broadcast_in_dim3A, %max3A_31 : vector<1024x1xf32>
    %div3A = vector.broadcast %max3A_32 : vector<1024x1xf32> to vector<1024x128xf32>
    %div3A_33 = arith.divf %add3A_27, %div3A : vector<1024x128xf32>
    %add3A_34 = arith.addf %get3A_30, %div3A_33 : vector<1024x128xf32>
    %swap3A = arith.constant 0 : index
    %swap3A_35 = arith.constant 0 : index
    %swap3A_36 = vector.load %arg6[%swap3A, %swap3A_35] : memref<1024x128xf32, #tpu.memory_space<vmem>>, vector<1024x128xf32>
    tpu.vector_store %arg6[%swap3A, %swap3A_35], %add3A_34 {strides = array<i32>} : memref<1024x128xf32, #tpu.memory_space<vmem>>, vector<1024x128xf32>,
    return
  }
  func.func @transform_0(%arg0: i32) -> (i32, i32) {
    %c0_i32 = arith.constant 0 : i32
    %c0_i32_0 = arith.constant 0 : i32
    return %arg0, %c0_i32 : i32, i32
  }
  func.func @transform_1(%arg0: i32) -> (i32, i32, i32) {
    %c0_i32 = arith.constant 0 : i32
    %c0_i32_0 = arith.constant 0 : i32
    %c0_i32_1 = arith.constant 0 : i32
    return %c0_i32, %arg0, %c0_i32_0 : i32, i32, i32
  }
  func.func @transform_2(%arg0: i32) -> (i32, i32) {
    %c0_i32 = arith.constant 0 : i32
    %c0_i32_0 = arith.constant 0 : i32
    return %c0_i32, %arg0 : i32, i32
  }
  func.func @transform_3(%arg0: i32) -> (i32, i32) {
    %c0_i32 = arith.constant 0 : i32
    %c0_i32_0 = arith.constant 0 : i32
    %c0_i32_1 = arith.constant 0 : i32
    return %c0_i32, %c0_i32_0 : i32, i32
  }
  func.func @transform_4(%arg0: i32) -> (i32, i32) {
    %c0_i32 = arith.constant 0 : i32
    %c0_i32_0 = arith.constant 0 : i32
    %c0_i32_1 = arith.constant 0 : i32
    return %c0_i32, %c0_i32_0 : i32, i32
  }
  func.func @transform_5(%arg0: i32) -> (i32, i32) {
    %c0_i32 = arith.constant 0 : i32
    %c0_i32_0 = arith.constant 0 : i32
    return %arg0, %c0_i32 : i32, i32
  }
}

</mosaic_0001>

<sc_bundles>
// kernel: kernel.4.cloned.1.call-start
scs
__scs_entry_jumppad:
0x0: {  	(pc) =	sbr.rel $0x88, $3  }
0x1: {  	(tag) =	ssettag $0x0;
	lr =	simm.s32 $0x1  }
0x2: {  	[smem:$0x3F9D] =	sst lr;
	_ =	strace $0xD0000000  }
0x3: {  	_ = 	snop  }
0x4: {  	_ = 	snop  }
0x5: {  	_ = 	snop  }
0x6: {  	_ = 	snop  }
0x7: {  	_ = 	snop  }
__scs_overlays_trampoline_lowered:
0x8: {  	[smem:$0x3FAC] =	sst s0  }
0x9: {  	[smem:$0x3FAD] =	sst s1  }
0xa: {  	[smem:$0x3FAE] =	sst s2  }
0xb: {  	[smem:$0x3FAF] =	sst s3  }
0xc: {  	[smem:$0x3FB0] =	sst s4  }
0xd: {  	[smem:$0x3FB1] =	sst s5  }
0xe: {  	[smem:$0x3FB2] =	sst s6  }
0xf: {  	[smem:$0x3FB3] =	sst s7  }
0x10: {  	[smem:$0x3FB4] =	sst s8  }
0x11: {  	[smem:$0x3FB5] =	sst s9;
	s0 =	simm.s32 @!p0 $0x0  }
0x12: {  	s1 =	sld [smem:$0x3F9B];
	s0 =	simm.s32 @p0 $0x1  }
0x13: {  	[smem:$0x3FB6] =	sst s0;
	s0 =	simm.s32 @!p1 $0x0  }
0x14: {  	s2 =	sld [smem:$0x3F9A];
	s0 =	simm.s32 @p1 $0x1  }
0x15: {  	[smem:$0x3FB7] =	sst s0;
	s0 =	simm.s32 @!p2 $0x0  }
0x16: {  	s3 =	sld [smem:$0x3FDB];
	s0 =	simm.s32 @p2 $0x1  }
0x17: {  	s4 =	simm.s32 $0x1BF5;
	[smem:$0x3FB9] =	sst s0  }
0x18: {  	s0 =	sld [smem:$0x3F9C];
	_ =	swait.ge [sflag:s4], $0x0  }
0x19: {  	s7 =	sld [smem:$0x3F9D]  }
0x1a: {  	s8 =	sadd.s32 $0xFFFFE003, lr  }
0x1b: {  	s9 =	sadd.s32 $0xFFFFFEF7, lr;
	s5 =	simm.s32 $0xFFFFFFFF;
	p2 =	slt.u32 s8, $0xFFFFF086  }
0x1c: {  	p1 =	slt.u32 s9, $0xF7A;
	s5 =	simm.s32 @!p2 $0x0  }
0x1d: {  	s5 =	simm.s32 @p1 $0x1;
	p0 =	seq.s32 s7, s2  }
0x1e: {  	s7 =	smul.u32 @!p0 $0xF7A, s2;
	p2 =	seq.s32 @!p0 s5, $0x0  }
0x1f: {  	s9 =	smul.u32 $0xF7A, s1;
	s8 =	simm.s32 @!p0 $0x1BF5;
	p2 =	por !p2, p0  }
0x20: {  	[sflag:s8] =	ssyncset.s32 @!p0 $0xFFFFF086;
	s6 =	sadd.s32 @!p0 s3, s7;
	s7 =	simm.s32 @!p0 $0x108  }
0x21: {  	s3 =	sadd.s32 s3, s9;
	s6 =	sadd.s32 @!p0 $0x88, s6;
	s7 =	simm.s32 @p2 $0x1082  }
0x22: {  	[simem:s7], [sflag:s8] =	dma.local @!p0 [hbm:s6], $0xF7A  }
0x23: {  	s9 =	sor.u32 $0xD0000000, s2;
	s6 =	simm.s32 $0x108;
	_ =	swait.ge @!p0 [sflag:s8], $0x0  }
0x24: {  	s3 =	sadd.s32 $0x88, s3;
	s6 =	simm.s32 @!p1 $0x1082;
	[sflag:s4] =	ssyncset.s32 $0xFFFFF086  }
0x25: {  	[simem:s6], [sflag:s4] =	dma.local [hbm:s3], $0xF7A  }
0x26: {  	[smem:$0x3F9D] =	sst s1;
	(tag) =	ssettag s2;
	_ =	strace s9  }
0x27: {  	s1 =	sld [smem:$0x3FAD]  }
0x28: {  	s2 =	sld [smem:$0x3FAE]  }
0x29: {  	s4 =	sld [smem:$0x3FB0]  }
0x2a: {  	p0 =	seq.s32 s5, $0x0;
	s5 =	sld [smem:$0x3FB1]  }
0x2b: {  	s6 =	sld [smem:$0x3FB2]  }
0x2c: {  	s7 =	sld [smem:$0x3FB3]  }
0x2d: {  	s3 =	simm.s32 $0x108;
	s8 =	sld [smem:$0x3FB4]  }
0x2e: {  	s3 =	simm.s32 @!p0 $0x1082;
	s9 =	sld [smem:$0x3FB5]  }
0x2f: {  	lr =	sadd.s32 s0, s3;
	s0 =	sld [smem:$0x3FAC]  }
0x30: {  	s3 =	sld [smem:$0x3FAF]  }
0x31: {  	[smem:$0x3FB8] =	sst s10  }
0x32: {  	s10 =	sld [smem:$0x3FB6];
	_ =	sdelay $0x3  }
0x33: {  	p0 =	seq.s32 s10, $0x1;
	s10 =	sld [smem:$0x3FB8];
	_ =	sdelay $0x3  }
0x34: {  	[smem:$0x3FB8] =	sst s10  }
0x35: {  	s10 =	sld [smem:$0x3FB7];
	_ =	sdelay $0x3  }
0x36: {  	p1 =	seq.s32 s10, $0x1;
	s10 =	sld [smem:$0x3FB8];
	_ =	sdelay $0x3  }
0x37: {  	[smem:$0x3FB8] =	sst s10  }
0x38: {  	s10 =	sld [smem:$0x3FB9]  }
0x39: {  	_ = 	snop;
	(pc) =	sbr.ind lr, $3  }
0x3a: {  	_ = 	snop  }
0x3b: {  	_ = 	snop  }
0x3c: {  	p2 =	seq.s32 s10, $0x1;
	s10 =	sld [smem:$0x3FB8]  }
0x3d: {  	_ =	shalt  }
0x3e: {  	_ =	shalt  }
0x3f: {  	_ =	shalt  }
0x40: {  	_ =	shalt  }
0x41: {  	_ =	shalt  }
0x42: {  	_ =	shalt  }
0x43: {  	_ =	shalt  }
0x44: {  	_ =	shalt  }
0x45: {  	_ =	shalt  }
0x46: {  	_ =	shalt  }
0x47: {  	_ =	shalt  }
0x48: {  	_ =	shalt  }
0x49: {  	_ =	shalt  }
0x4a: {  	_ =	shalt  }
0x4b: {  	_ =	shalt  }
0x4c: {  	_ =	shalt  }
0x4d: {  	_ =	shalt  }
0x4e: {  	_ =	shalt  }
0x4f: {  	_ =	shalt  }
0x50: {  	_ =	shalt  }
0x51: {  	_ =	shalt  }
0x52: {  	_ =	shalt  }
0x53: {  	_ =	shalt  }
0x54: {  	_ =	shalt  }
0x55: {  	_ =	shalt  }
0x56: {  	_ =	shalt  }
0x57: {  	_ =	shalt  }
0x58: {  	_ =	shalt  }
0x59: {  	_ =	shalt  }
0x5a: {  	_ =	shalt  }
0x5b: {  	_ =	shalt  }
0x5c: {  	_ =	shalt  }
0x5d: {  	_ =	shalt  }
0x5e: {  	_ =	shalt  }
0x5f: {  	_ =	shalt  }
0x60: {  	_ =	shalt  }
0x61: {  	_ =	shalt  }
0x62: {  	_ =	shalt  }
0x63: {  	_ =	shalt  }
0x64: {  	_ =	shalt  }
0x65: {  	_ =	shalt  }
0x66: {  	_ =	shalt  }
0x67: {  	_ =	shalt  }
0x68: {  	_ =	shalt  }
0x69: {  	_ =	shalt  }
0x6a: {  	_ =	shalt  }
0x6b: {  	_ =	shalt  }
0x6c: {  	_ =	shalt  }
0x6d: {  	_ =	shalt  }
0x6e: {  	_ =	shalt  }
0x6f: {  	_ =	shalt  }
0x70: {  	_ =	shalt  }
0x71: {  	_ =	shalt  }
0x72: {  	_ =	shalt  }
0x73: {  	_ =	shalt  }
0x74: {  	_ =	shalt  }
0x75: {  	_ =	shalt  }
0x76: {  	_ =	shalt  }
0x77: {  	_ =	shalt  }
0x78: {  	_ =	shalt  }
0x79: {  	_ =	shalt  }
0x7a: {  	_ =	shalt  }
0x7b: {  	_ =	shalt  }
0x7c: {  	_ =	shalt  }
0x7d: {  	_ =	shalt  }
0x7e: {  	_ =	shalt  }
0x7f: {  	_ =	shalt  }
0x80: {  	_ =	shalt  }
0x81: {  	_ =	shalt  }
0x82: {  	_ =	shalt  }
0x83: {  	_ =	shalt  }
0x84: {  	_ =	shalt  }
0x85: {  	_ =	shalt  }
0x86: {  	_ =	shalt  }
0x87: {  	_ =	shalt  }
.Lfunc_end0:
.L_simem_size_0:
called_computation_lowered:
.L_overlay_start_0:
0x88: {  	s2 =	sld [smem:$0x3FD9]  }
0x89: {  	s3 =	sld [smem:$0x3FFE];
	_ =	sdelay $0x1  }
0x8a: {  	s1 =	srdreg.scid  }
0x8b: {  	s0 =	sand.u32 $0x1, s1  }
0x8c: {  	s17 =	sshll.u32 s0, $0xA;
	s2 =	sadd.s32 s3, s2  }
0x8d: {  	s2 =	sadd.s32 s2, s17  }
0x8e: {  	[smem:$0x3FC4] =	sst s2  }
0x8f: {  	_ = 	snop  }
0x90: {  	s2 =	sld [smem:$0x3FC9]  }
0x91: {  	s18 =	sld [smem:$0x3FD0];
	(tm) =	ssettm $0x1  }
0x92: {  	s4 =	sld [smem:$0x3FFB];
	_ =	sdelay $0x3  }
0x93: {  	_ =	strace s4  }
0x94: {  	s4 =	sld [smem:$0x3FFC];
	_ =	sdelay $0x3  }
0x95: {  	_ =	strace s4  }
0x96: {  	s4 =	sld [smem:$0x3FFD];
	_ =	sdelay $0x3  }
0x97: {  	_ =	strace s4  }
0x98: {  	_ =	strace $0x8FFFFFFF  }
0x99: {  	s19 =	sld [smem:$0x3FDB];
	_ =	sdelay $0x1  }
0x9a: {  	s5 =	simm.s32 $_scs_section_size  }
0x9b: {  	s6 =	simm.s32 $_size__tile_overlayer_lowered;
	s7 =	simm.s32 $_tile_overlayer_lowered  }
0x9c: {  	s22 =	simm.s32 $0x1BFF;
	s21 =	sshll.u32 s7, $0x1;
	s4 =	sadd.s32 s5, s19  }
0x9d: {  	s8 =	simm.s32 $0x0;
	s20 =	sshll.u32 s6, $0x1;
	s6 =	sadd.s32 s21, s4  }
0x9e: {  	[timem:s8], [sflag:s22] =	dma.local [hbm:s6], s20  }
0x9f: {  	_ =	swait.ge [sflag:s22], s20  }
0xa0: {  	s5 =	ssub.s32 $0x0, s20;
	[sflag:s22] =	ssyncset.done $0x0  }
0xa1: {  	[sflag:s22] =	ssyncadd.s32 s5;
	_ =	sdelay $0x1  }
0xa2: {  	s23 =	simm.s32 $0x1B8B  }
0xa3: {  	_ =	swait.ge [sflag:s23], $0x1  }
0xa4: {  	[sflag:s23] =	ssyncset.done $0x0  }
0xa5: {  	s25 =	simm.s32 $0x1B8E;
	s24 =	sld [smem:$0x3FFE];
	[sflag:s23] =	ssyncadd.s32 $0xFFFFFFFF  }
0xa6: {  	s26 =	simm.s32 $execute0_lowered;
	[smem:$0x3FD2] =	sst s25  }
0xa7: {  	s6 =	sshll.u32 s26, $0x1;
	_ =	strace $0x80000046;
	[dreg:$0x1] =	wrdreg $0xFFFFFFFF  }
0xa8: {  	s28 =	simm.s32 $_size_execute0_lowered;
	s4 =	sadd.s32 s4, s6;
	[dreg:$0x0] =	wrdreg $0x0  }
0xa9: {  	s6 =	sshll.u32 s28, $0x1;
	[dreg:$0x2] =	wrdreg s4  }
0xaa: {  	[dreg:$0x3] =	wrdreg s6  }
0xab: {  	[dreg:$0x4] =	wrdreg $0xC0  }
0xac: {  	_ =	task [dreg:s8], $0x5FFFF  }
0xad: {  	[dreg:$0x1] =	wrdreg $0xFFFFFFFF  }
0xae: {  	[dreg:$0x0] =	wrdreg $0x60  }
0xaf: {  	[dreg:$0x2] =	wrdreg s18  }
0xb0: {  	[dreg:$0x3] =	wrdreg s24  }
0xb1: {  	[dreg:$0x4] =	wrdreg s2  }
0xb2: {  	[dreg:$0x5] =	wrdreg $0xA6B80  }
0xb3: {  	[dreg:$0x6] =	wrdreg $0x1E2B80  }
0xb4: {  	[dreg:$0x7] =	wrdreg $0x9  }
0xb5: {  	_ =	task.clear_ibuf [dreg:s8], $0x8FFFF;
	_ =	strace $0x90000046  }
0xb6: {  	s29 =	simm.s32 $0x9;
	_ =	strace $0x80000048  }
0xb7: {  	_ =	swait.ge [sflag:s29], $0x1  }
0xb8: {  	[sflag:s29] =	ssyncadd.s32 $0xFFFFFFFF  }
0xb9: {  	_ =	strace $0x90000048  }
0xba: {  	_ =	sfence  }
0xbb: {  	s30 =	sld [smem:$0x0];
	_ =	sdelay $0x2  }
0xbc: {  	s31 =	sshll.u32 s1, $0xD;
	s1 =	sshrl.u32 s1, $0x2  }
0xbd: {  	s3 =	sand.u32 $0x4000, s31;
	s1 =	sadd.s32 s1, s30  }
0xbe: {  	s0 =	sor.u32 s3, s0;
	s1 =	sshll.u32 s1, $0x11  }
0xbf: {  	s0 =	sor.u32 s1, s0  }
0xc0: {  	s0 =	sadd.s32 $0x8F2B, s0  }
0xc1: {  	[sflag:s0] =	ssyncadd.remote.s32 $0x1  }
0xc2: {  	_ =	sfence.sel $0xFFFF  }
0xc3: {  	[dreg:$0x0] =	wrdreg $0xFFFFFFFF;
	(pc) =	sbr.abs _section_cstart, $3  }
0xc4: {  	[dreg:$0x1] =	wrdreg $0xFFFFFFFF  }
0xc5: {  	_ =	task.clear_ibuf [dreg:s8], $0x2FFFF;
	_ =	strace $0x9FFFFFFF  }
0xc6: {  	(tm) =	ssettm $0x7FFFFFFF  }
0xc7: {  	_ =	shalt  }
tec
execute0_lowered:
.L_overlay_start_1:
0x0: {  	(tag) =	ssettag $0x1  }
0x1: {  	s0 =	rddreg [dreg:$0x0]  }
0x2: {  	s2 =	rddreg [dreg:$0x1]  }
0x3: {  	s1 =	rddreg [dreg:$0x2]  }
0x4: {  	s3 =	rddreg [dreg:$0x3]  }
0x5: {  	s4 =	rddreg [dreg:$0x4];
	s20 =	stileid.u32  }
0x6: {  	s6 =	srdreg.scid;
	s5 =	simm.s32 $0x0;
	s9 =	smul.u32 $0x13C00, s20  }
0x7: {  	s28 =	simm.s32 $0xA400;
	s29 =	simm.s32 $0x3;
	s16 =	smul.u32 $0x278, s20  }
0x8: {  	s30 =	simm.s32 $0x6400;
	s31 =	simm.s32 $0x1;
	s13 =	smul.u32 $0x4F000, s20  }
0x9: {  	s6 =	sand.u32 $0x1, s6;
	[smem:$0x7FF] =	sst s5;
	s14 =	smul.u32 $0x390, s20  }
0xa: {  	s8 =	sadd.s32 $0xB000, s2;
	s19 =	sadd.s32 $0xAE00, s2;
	s20 =	smul.u32 $0x640, s20  }
0xb: {  	s7 =	smul.u32 $0x13C000, s6;
	_ =	strace $0x80000047;
	[dreg:$0x6] =	wrdreg s8  }
0xc: {  	s15 =	sadd.s32 $0xE00, s2;
	s11 =	smul.u32 $0x2780, s6;
	[dreg:$0x7] =	wrdreg s19  }
0xd: {  	s8 =	sadd.s32 $0xAC00, s2;
	s12 =	ssub.s32 $0x2, s6;
	p0 =	sne.s32 s6, $0x0  }
0xe: {  	s22 =	sshrl.u32 s12, $0x1;
	s23 =	sshrl.u32 s13, $0x2;
	s19 =	sadd.s32 $0x6400, s14  }
0xf: {  	s26 =	sadd.s32 s15, s20;
	s10 =	sadd.s32 s9, s7;
	s11 =	sadd.s32 s16, s11  }
0x10: {  	s18 =	ssub.s32 s12, s22;
	s9 =	sadd.s32 s9, s3;
	s22 =	sadd.s32 s23, s3  }
0x11: {  	s24 =	sadd.s32 s0, s19;
	s25 =	sadd.s32 s15, s19;
	s0 =	sadd.s32 s0, s20  }
0x12: {  	[dreg:$0xb] =	wrdreg s26;
	s23 =	sadd.s32 s16, s4;
	s16 =	simm.s32 $0x40  }
0x13: {  	s15 =	simm.s32 $0x0;
	s10 =	sshrl.u32 s10, $0x3;
	s21 =	sshrl.u32 s11, $0x3  }
0x14: {  	s11 =	sadd.s32 $0x4000, s22;
	s12 =	sadd.s32 $0x6000, s22;
	[dreg:$0x8] =	wrdreg s24  }
0x15: {  	s13 =	sadd.s32 $0x8000, s22;
	s14 =	sadd.s32 $0xA000, s22;
	[dreg:$0x9] =	wrdreg s25  }
.Ltmp0:
0x16: {  	[dreg:$0xa] =	wrdreg s0;
	s19 =	sadd.s32 $0xC000, s22;
	(pc) =	sbr.rel .LBB2_1-.Ltmp0, $4  }
0x17: {  	s20 =	sadd.s32 $0xE000, s22;
	s26 =	smax.u32 s18, $0x1;
	s0 =	simm.s32 $0xA440  }
0x18: {  	s18 =	simm.s32 $0x2;
	s17 =	sadd.s32 s10, s2;
	s2 =	sadd.s32 s21, s2  }
0x19: {  	s10 =	sadd.s32 $0x2000, s22;
	s21 =	sadd.s32 $0x10000, s22;
	s22 =	sadd.s32 $0x12000, s22  }
0x1a: {  	s24 =	sadd.s32 $0xBE00, s17;
	s25 =	sadd.s32 $0xB400, s2;
	s17 =	simm.s32 $0x8400  }
.LBB2_4:
0x1b: {  	[tilespmem:s17], [sflag:$0x2] =	stream.indirect.gather [hbm4b:s1+s16], $0x80, s6, s16, $0xb8;
	[tilespmem:$0x1E530] =	vst v63  }
0x1c: {  	s2 =	simm.s32 $0x63C0;
	s6 =	simm.s32 $0x6380  }
.LBB2_8:
0x1d: {  	_ =	swait.ge [sflag:s31], $0x2000  }
0x1e: {  	[sflag:s31] =	ssyncset.done $0x0  }
0x1f: {  	[sflag:s31] =	ssyncadd.s32 $0xFFFFE000  }
0x20: {  	[spmem:s3] =	stream.indirect.scatter.add.f32 [tilespmem:s30], [sflag:$0x3], $0x80, s6, s16, $0xb8;
	[tilespmem:$0x1E530] =	vst v63  }
0x21: {  	_ =	swait.ge [sflag:s29], $0x2000  }
0x22: {  	[sflag:s29] =	ssyncset.done $0x0  }
0x23: {  	[sflag:s29] =	ssyncadd.s32 $0xFFFFE000  }
0x24: {  	[spmem:s4] =	stream.indirect.scatter.add.f32 [tilespmem:s28], [sflag:$0x3], $0x1, s6, s16, $0xb8;
	[tilespmem:$0x1E530] =	vst v63  }
0x25: {  	_ =	swait.ge [sflag:s29], $0x40  }
0x26: {  	[sflag:s29] =	ssyncset.done $0x0  }
0x27: {  	[sflag:s29] =	ssyncadd.s32 $0xFFFFFFC0  }
0x28: {  	_ =	swait.ge [sflag:s18], $0x2000  }
0x29: {  	[sflag:s18] =	ssyncset.done $0x0  }
0x2a: {  	[sflag:s18] =	ssyncadd.s32 $0xFFFFE000  }
0x2b: {  	[spmem:s3] =	stream.indirect.scatter.add.f32 [tilespmem:s17], [sflag:$0x3], $0x80, s2, s16, $0xb8;
	[tilespmem:$0x1E530] =	vst v63  }
0x2c: {  	_ =	swait.ge [sflag:s29], $0x2000  }
0x2d: {  	[sflag:s29] =	ssyncset.done $0x0  }
0x2e: {  	[sflag:s29] =	ssyncadd.s32 $0xFFFFE000  }
0x2f: {  	[spmem:s4] =	stream.indirect.scatter.add.f32 [tilespmem:s28], [sflag:$0x3], $0x1, s2, s16, $0xb8;
	[tilespmem:$0x1E530] =	vst v63  }
0x30: {  	_ =	swait.ge [sflag:s29], $0x40  }
0x31: {  	s6 =	stileid.u32;
	[sflag:s29] =	ssyncset.done $0x0  }
0x32: {  	s2 =	sshll.u32 s6, $0x6;
	[sflag:s29] =	ssyncadd.s32 $0xFFFFFFC0  }
0x33: {  	s7 =	sshrl.u32 s9, $0x3;
	s2 =	sor.u32 $0x1C03, s2;
	[bflag:$0x0] =	sbarrier.arrive $0xFFFF  }
0x34: {  	[hbm:s24], [sflag:s2] =	dma.local [spmem:s7], $0x2780  }
0x35: {  	_ =	swait.ge [sflag:s29], $0x2780  }
0x36: {  	[sflag:s29] =	ssyncset.done $0x0  }
0x37: {  	[sflag:s29] =	ssyncadd.s32 $0xFFFFD880  }
0x38: {  	[tilespmem:s0], [sflag:$0x3] =	stream.linear.gather [spmem:s23], $0x278, $0x38;
	[tilespmem:$0x1E530] =	vst v63  }
0x39: {  	s15 =	sadd.s32 $0x1, s15;
	_ =	swait.ge [sflag:s29], $0x278  }
0x3a: {  	p1 =	sne.s32 s15, s26;
	[sflag:s29] =	ssyncset.done $0x0  }
.Ltmp1:
0x3b: {  	[sflag:s29] =	ssyncadd.s32 $0xFFFFFD88;
	(pc) =	sbr.rel @!p1 .LBB2_9-.Ltmp1, $4  }
0x3c: {  	[hbm4b:s25+s5] =	stream.linear.scatter [tilespmem:s0], [sflag:$0x3], $0x278, $0x38;
	[tilespmem:$0x1E530] =	vst v63  }
0x3d: {  	_ =	swait.ge [sflag:s29], $0x278  }
0x3e: {  	[sflag:s29] =	ssyncset.done $0x0  }
0x3f: {  	[sflag:s29] =	ssyncadd.s32 $0xFFFFFD88  }
.LBB2_1:
0x40: {  	[tilespmem:s28], [sflag:$0x3] =	stream.linear.gather [hbm4b:s8+s5], $0x40, $0x38;
	[tilespmem:$0x1E530] =	vst v63  }
0x41: {  	_ =	swait.ge [sflag:s29], $0x40  }
0x42: {  	[sflag:s29] =	ssyncset.done $0x0  }
0x43: {  	s2 =	rddreg [dreg:$0x6];
	[sflag:s29] =	ssyncadd.s32 $0xFFFFFFC0  }
0x44: {  	[tilespmem:s30], [sflag:$0x3] =	stream.linear.gather [hbm4b:s2+s5], $0x2000, $0x38;
	[tilespmem:$0x1E530] =	vst v63  }
0x45: {  	_ =	swait.ge [sflag:s29], $0x2000  }
0x46: {  	[sflag:s29] =	ssyncset.done $0x0  }
0x47: {  	[sflag:s29] =	ssyncadd.s32 $0xFFFFE000  }
0x48: {  	[spmem:s9] =	stream.linear.scatter [tilespmem:s30], [sflag:$0x1], $0x2000, $0x38;
	[tilespmem:$0x1E530] =	vst v63  }
0x49: {  	_ = 	snop  }
0x4a: {  	[spmem:s10] =	stream.linear.scatter [tilespmem:s30], [sflag:$0x1], $0x2000, $0x38;
	[tilespmem:$0x1E530] =	vst v63  }
0x4b: {  	_ = 	snop  }
0x4c: {  	[spmem:s11] =	stream.linear.scatter [tilespmem:s30], [sflag:$0x1], $0x2000, $0x38;
	[tilespmem:$0x1E530] =	vst v63  }
0x4d: {  	_ = 	snop  }
0x4e: {  	[spmem:s12] =	stream.linear.scatter [tilespmem:s30], [sflag:$0x1], $0x2000, $0x38;
	[tilespmem:$0x1E530] =	vst v63  }
0x4f: {  	_ = 	snop  }
0x50: {  	[spmem:s13] =	stream.linear.scatter [tilespmem:s30], [sflag:$0x1], $0x2000, $0x38;
	[tilespmem:$0x1E530] =	vst v63  }
0x51: {  	_ = 	snop  }
0x52: {  	[spmem:s14] =	stream.linear.scatter [tilespmem:s30], [sflag:$0x1], $0x2000, $0x38;
	[tilespmem:$0x1E530] =	vst v63  }
0x53: {  	_ = 	snop  }
0x54: {  	[spmem:s19] =	stream.linear.scatter [tilespmem:s30], [sflag:$0x1], $0x2000, $0x38;
	[tilespmem:$0x1E530] =	vst v63  }
0x55: {  	_ = 	snop  }
0x56: {  	[spmem:s20] =	stream.linear.scatter [tilespmem:s30], [sflag:$0x1], $0x2000, $0x38;
	[tilespmem:$0x1E530] =	vst v63  }
0x57: {  	_ = 	snop  }
0x58: {  	[spmem:s21] =	stream.linear.scatter [tilespmem:s30], [sflag:$0x1], $0x2000, $0x38;
	[tilespmem:$0x1E530] =	vst v63  }
0x59: {  	_ = 	snop  }
0x5a: {  	[spmem:s22] =	stream.linear.scatter [tilespmem:s30], [sflag:$0x1], $0x1C00, $0x38;
	[tilespmem:$0x1E530] =	vst v63  }
0x5b: {  	_ =	swait.ge [sflag:s31], $0x2000  }
0x5c: {  	[sflag:s31] =	ssyncset.done $0x0  }
0x5d: {  	[sflag:s31] =	ssyncadd.s32 $0xFFFFE000  }
0x5e: {  	_ =	swait.ge [sflag:s31], $0x2000  }
0x5f: {  	[sflag:s31] =	ssyncset.done $0x0  }
0x60: {  	[sflag:s31] =	ssyncadd.s32 $0xFFFFE000  }
0x61: {  	_ =	swait.ge [sflag:s31], $0x2000  }
0x62: {  	[sflag:s31] =	ssyncset.done $0x0  }
0x63: {  	[sflag:s31] =	ssyncadd.s32 $0xFFFFE000  }
0x64: {  	_ =	swait.ge [sflag:s31], $0x2000  }
0x65: {  	[sflag:s31] =	ssyncset.done $0x0  }
0x66: {  	[sflag:s31] =	ssyncadd.s32 $0xFFFFE000  }
0x67: {  	_ =	swait.ge [sflag:s31], $0x2000  }
0x68: {  	[sflag:s31] =	ssyncset.done $0x0  }
0x69: {  	[sflag:s31] =	ssyncadd.s32 $0xFFFFE000  }
0x6a: {  	_ =	swait.ge [sflag:s31], $0x2000  }
0x6b: {  	[sflag:s31] =	ssyncset.done $0x0  }
0x6c: {  	[sflag:s31] =	ssyncadd.s32 $0xFFFFE000  }
0x6d: {  	_ =	swait.ge [sflag:s31], $0x2000  }
0x6e: {  	[sflag:s31] =	ssyncset.done $0x0  }
0x6f: {  	[sflag:s31] =	ssyncadd.s32 $0xFFFFE000  }
0x70: {  	_ =	swait.ge [sflag:s31], $0x2000  }
0x71: {  	[sflag:s31] =	ssyncset.done $0x0  }
0x72: {  	[sflag:s31] =	ssyncadd.s32 $0xFFFFE000  }
0x73: {  	_ =	swait.ge [sflag:s31], $0x2000  }
0x74: {  	[sflag:s31] =	ssyncset.done $0x0  }
0x75: {  	[sflag:s31] =	ssyncadd.s32 $0xFFFFE000  }
0x76: {  	_ =	swait.ge [sflag:s31], $0x1C00  }
0x77: {  	[sflag:s31] =	ssyncset.done $0x0  }
0x78: {  	s7 =	rddreg [dreg:$0x7];
	[sflag:s31] =	ssyncadd.s32 $0xFFFFE400  }
0x79: {  	[tilespmem:s0], [sflag:$0x3] =	stream.linear.gather [hbm4b:s7+s5], $0x278, $0x38;
	[tilespmem:$0x1E530] =	vst v63  }
0x7a: {  	_ =	swait.ge [sflag:s29], $0x278  }
0x7b: {  	[sflag:s29] =	ssyncset.done $0x0  }
0x7c: {  	[sflag:s29] =	ssyncadd.s32 $0xFFFFFD88  }
0x7d: {  	[spmem:s23] =	stream.linear.scatter [tilespmem:s0], [sflag:$0x3], $0x278, $0x38;
	[tilespmem:$0x1E530] =	vst v63  }
.Ltmp2:
0x7e: {  	_ =	swait.ge [sflag:s29], $0x278;
	(pc) =	sbr.rel @p0 .LBB2_5-.Ltmp2, $4  }
0x7f: {  	[sflag:s29] =	ssyncset.done $0x0  }
0x80: {  	[sflag:s29] =	ssyncadd.s32 $0xFFFFFD88  }
0x81: {  	[bflag:$0x0] =	sbarrier.arrive $0xFFFF  }
0x82: {  	s2 =	simm.s32 $0x0  }
0x83: {  	s6 =	rddreg [dreg:$0xa]  }
0x84: {  	[tilespmem:s2], [sflag:$0x3] =	stream.linear.gather [hbm4b:s6+s2], $0x3200, $0x38;
	[tilespmem:$0x1E530] =	vst v63  }
0x85: {  	_ =	swait.ge [sflag:s29], $0x3200  }
0x86: {  	[sflag:s29] =	ssyncset.done $0x0  }
0x87: {  	s7 =	simm.s32 $0x3200;
	s6 =	rddreg [dreg:$0xb];
	[sflag:s29] =	ssyncadd.s32 $0xFFFFCE00  }
0x88: {  	[tilespmem:s7], [sflag:$0x3] =	stream.linear.gather [hbm4b:s6+s2], $0x3200, $0x38;
	[tilespmem:$0x1E530] =	vst v63  }
0x89: {  	_ =	swait.ge [sflag:s29], $0x3200  }
0x8a: {  	[sflag:s29] =	ssyncset.done $0x0  }
0x8b: {  	[sflag:s29] =	ssyncadd.s32 $0xFFFFCE00  }
0x8c: {  	[tilespmem:s30], [sflag:$0x1] =	stream.indirect.gather [hbm4b:s1+s16], $0x80, s2, s16, $0xb8;
	[tilespmem:$0x1E530] =	vst v63  }
0x8d: {  	_ = 	snop  }
0x8e: {  	[tilespmem:s17], [sflag:$0x2] =	stream.indirect.gather [hbm4b:s1+s16], $0x80, s16, s16, $0xb8;
	[tilespmem:$0x1E530] =	vst v63  }
0x8f: {  	_ =	swait.ge [sflag:s31], $0x2000  }
0x90: {  	[sflag:s31] =	ssyncset.done $0x0  }
0x91: {  	s7 =	simm.s32 $0x3200;
	[sflag:s31] =	ssyncadd.s32 $0xFFFFE000  }
0x92: {  	[spmem:s3] =	stream.indirect.scatter.add.f32 [tilespmem:s30], [sflag:$0x3], $0x80, s7, s16, $0xb8;
	[tilespmem:$0x1E530] =	vst v63  }
0x93: {  	_ =	swait.ge [sflag:s29], $0x2000  }
0x94: {  	[sflag:s29] =	ssyncset.done $0x0  }
0x95: {  	[sflag:s29] =	ssyncadd.s32 $0xFFFFE000  }
0x96: {  	[spmem:s4] =	stream.indirect.scatter.add.f32 [tilespmem:s28], [sflag:$0x3], $0x1, s7, s16, $0xb8;
	[tilespmem:$0x1E530] =	vst v63  }
0x97: {  	_ =	swait.ge [sflag:s29], $0x40  }
0x98: {  	[sflag:s29] =	ssyncset.done $0x0  }
0x99: {  	s6 =	simm.s32 $0x80;
	[sflag:s29] =	ssyncadd.s32 $0xFFFFFFC0  }
0x9a: {  	[tilespmem:s30], [sflag:$0x1] =	stream.indirect.gather [hbm4b:s1+s16], $0x80, s6, s16, $0xb8;
	[tilespmem:$0x1E530] =	vst v63  }
0x9b: {  	_ =	swait.ge [sflag:s18], $0x2000  }
0x9c: {  	[sflag:s18] =	ssyncset.done $0x0  }
0x9d: {  	s7 =	simm.s32 $0x3240;
	[sflag:s18] =	ssyncadd.s32 $0xFFFFE000  }
0x9e: {  	[spmem:s3] =	stream.indirect.scatter.add.f32 [tilespmem:s17], [sflag:$0x3], $0x80, s7, s16, $0xb8;
	[tilespmem:$0x1E530] =	vst v63  }
0x9f: {  	_ =	swait.ge [sflag:s29], $0x2000  }
0xa0: {  	p1 =	por $0x0, $0x0;
	[sflag:s29] =	ssyncset.done $0x0  }
.Ltmp3:
0xa1: {  	[sflag:s29] =	ssyncadd.s32 $0xFFFFE000;
	(pc) =	sbr.rel @p1 .LBB2_4-.Ltmp3, $4  }
0xa2: {  	[spmem:s4] =	stream.indirect.scatter.add.f32 [tilespmem:s28], [sflag:$0x3], $0x1, s7, s16, $0xb8;
	[tilespmem:$0x1E530] =	vst v63  }
0xa3: {  	_ =	swait.ge [sflag:s29], $0x40  }
0xa4: {  	[sflag:s29] =	ssyncset.done $0x0  }
0xa5: {  	s2 =	simm.s32 $0x200;
	s6 =	simm.s32 $0xC0;
	[sflag:s29] =	ssyncadd.s32 $0xFFFFFFC0  }
.LBB2_3:
0xa6: {  	[tilespmem:s17], [sflag:$0x2] =	stream.indirect.gather [hbm4b:s1+s16], $0x80, s6, s16, $0xb8;
	[tilespmem:$0x1E530] =	vst v63  }
0xa7: {  	s6 =	smov.u32 s2  }
0xa8: {  	p1 =	seq.s32 s2, $0xC400;
	s2 =	sadd.s32 $0x200, s2;
	_ =	swait.ge [sflag:s31], $0x2000  }
0xa9: {  	s6 =	sshra.s32 s6, $0x2;
	[sflag:s31] =	ssyncset.done $0x0  }
0xaa: {  	s7 =	sadd.s32 $0x3200, s6;
	[sflag:s31] =	ssyncadd.s32 $0xFFFFE000  }
0xab: {  	[spmem:s3] =	stream.indirect.scatter.add.f32 [tilespmem:s30], [sflag:$0x3], $0x80, s7, s16, $0xb8;
	[tilespmem:$0x1E530] =	vst v63  }
0xac: {  	_ =	swait.ge [sflag:s29], $0x2000  }
0xad: {  	[sflag:s29] =	ssyncset.done $0x0  }
0xae: {  	[sflag:s29] =	ssyncadd.s32 $0xFFFFE000  }
0xaf: {  	[spmem:s4] =	stream.indirect.scatter.add.f32 [tilespmem:s28], [sflag:$0x3], $0x1, s7, s16, $0xb8;
	[tilespmem:$0x1E530] =	vst v63  }
0xb0: {  	_ =	swait.ge [sflag:s29], $0x40  }
0xb1: {  	[sflag:s29] =	ssyncset.done $0x0  }
0xb2: {  	s7 =	sadd.s32 $0x80, s6;
	[sflag:s29] =	ssyncadd.s32 $0xFFFFFFC0  }
0xb3: {  	[tilespmem:s30], [sflag:$0x1] =	stream.indirect.gather [hbm4b:s1+s16], $0x80, s7, s16, $0xb8;
	[tilespmem:$0x1E530] =	vst v63  }
0xb4: {  	_ =	swait.ge [sflag:s18], $0x2000  }
0xb5: {  	[sflag:s18] =	ssyncset.done $0x0  }
0xb6: {  	s7 =	sadd.s32 $0x3240, s6;
	[sflag:s18] =	ssyncadd.s32 $0xFFFFE000  }
0xb7: {  	[spmem:s3] =	stream.indirect.scatter.add.f32 [tilespmem:s17], [sflag:$0x3], $0x80, s7, s16, $0xb8;
	[tilespmem:$0x1E530] =	vst v63  }
0xb8: {  	_ =	swait.ge [sflag:s29], $0x2000  }
0xb9: {  	[sflag:s29] =	ssyncset.done $0x0  }
.Ltmp4:
0xba: {  	[sflag:s29] =	ssyncadd.s32 $0xFFFFE000;
	(pc) =	sbr.rel @!p1 .LBB2_3-.Ltmp4, $4  }
0xbb: {  	[spmem:s4] =	stream.indirect.scatter.add.f32 [tilespmem:s28], [sflag:$0x3], $0x1, s7, s16, $0xb8;
	[tilespmem:$0x1E530] =	vst v63  }
0xbc: {  	_ =	swait.ge [sflag:s29], $0x40  }
0xbd: {  	[sflag:s29] =	ssyncset.done $0x0  }
0xbe: {  	s6 =	sadd.s32 $0xC0, s6;
	[sflag:s29] =	ssyncadd.s32 $0xFFFFFFC0  }
.Ltmp5:
0xbf: {  	_ = 	snop;
	(pc) =	sbr.rel .LBB2_4-.Ltmp5, $1  }
0xc0: {  	_ =	sdelay $0x3  }
.LBB2_5:
0xc1: {  	s6 =	rddreg [dreg:$0x8]  }
0xc2: {  	[tilespmem:s2], [sflag:$0x3] =	stream.linear.gather [hbm4b:s6+s2], $0x1C80, $0x38;
	[tilespmem:$0x1E530] =	vst v63  }
0xc3: {  	_ =	swait.ge [sflag:s29], $0x1C80  }
0xc4: {  	[sflag:s29] =	ssyncset.done $0x0  }
0xc5: {  	s7 =	simm.s32 $0x3200;
	s6 =	rddreg [dreg:$0x9];
	[sflag:s29] =	ssyncadd.s32 $0xFFFFE380  }
0xc6: {  	[tilespmem:s7], [sflag:$0x3] =	stream.linear.gather [hbm4b:s6+s2], $0x1C80, $0x38;
	[tilespmem:$0x1E530] =	vst v63  }
0xc7: {  	_ =	swait.ge [sflag:s29], $0x1C80  }
0xc8: {  	[sflag:s29] =	ssyncset.done $0x0  }
0xc9: {  	[sflag:s29] =	ssyncadd.s32 $0xFFFFE380  }
0xca: {  	[tilespmem:s30], [sflag:$0x1] =	stream.indirect.gather [hbm4b:s1+s16], $0x80, s2, s16, $0xb8;
	[tilespmem:$0x1E530] =	vst v63  }
0xcb: {  	_ = 	snop  }
0xcc: {  	[tilespmem:s17], [sflag:$0x2] =	stream.indirect.gather [hbm4b:s1+s16], $0x80, s16, s16, $0xb8;
	[tilespmem:$0x1E530] =	vst v63  }
0xcd: {  	_ =	swait.ge [sflag:s31], $0x2000  }
0xce: {  	[sflag:s31] =	ssyncset.done $0x0  }
0xcf: {  	s7 =	simm.s32 $0x3200;
	[sflag:s31] =	ssyncadd.s32 $0xFFFFE000  }
0xd0: {  	[spmem:s3] =	stream.indirect.scatter.add.f32 [tilespmem:s30], [sflag:$0x3], $0x80, s7, s16, $0xb8;
	[tilespmem:$0x1E530] =	vst v63  }
0xd1: {  	_ =	swait.ge [sflag:s29], $0x2000  }
0xd2: {  	[sflag:s29] =	ssyncset.done $0x0  }
0xd3: {  	[sflag:s29] =	ssyncadd.s32 $0xFFFFE000  }
0xd4: {  	[spmem:s4] =	stream.indirect.scatter.add.f32 [tilespmem:s28], [sflag:$0x3], $0x1, s7, s16, $0xb8;
	[tilespmem:$0x1E530] =	vst v63  }
0xd5: {  	_ =	swait.ge [sflag:s29], $0x40  }
0xd6: {  	[sflag:s29] =	ssyncset.done $0x0  }
0xd7: {  	s6 =	simm.s32 $0x80;
	[sflag:s29] =	ssyncadd.s32 $0xFFFFFFC0  }
0xd8: {  	[tilespmem:s30], [sflag:$0x1] =	stream.indirect.gather [hbm4b:s1+s16], $0x80, s6, s16, $0xb8;
	[tilespmem:$0x1E530] =	vst v63  }
0xd9: {  	_ =	swait.ge [sflag:s18], $0x2000  }
0xda: {  	[sflag:s18] =	ssyncset.done $0x0  }
0xdb: {  	s7 =	simm.s32 $0x3240;
	[sflag:s18] =	ssyncadd.s32 $0xFFFFE000  }
0xdc: {  	[spmem:s3] =	stream.indirect.scatter.add.f32 [tilespmem:s17], [sflag:$0x3], $0x80, s7, s16, $0xb8;
	[tilespmem:$0x1E530] =	vst v63  }
0xdd: {  	_ =	swait.ge [sflag:s29], $0x2000  }
0xde: {  	[sflag:s29] =	ssyncset.done $0x0  }
0xdf: {  	[sflag:s29] =	ssyncadd.s32 $0xFFFFE000  }
0xe0: {  	[spmem:s4] =	stream.indirect.scatter.add.f32 [tilespmem:s28], [sflag:$0x3], $0x1, s7, s16, $0xb8;
	[tilespmem:$0x1E530] =	vst v63  }
0xe1: {  	_ =	swait.ge [sflag:s29], $0x40  }
0xe2: {  	[sflag:s29] =	ssyncset.done $0x0  }
0xe3: {  	s2 =	simm.s32 $0x200;
	s6 =	simm.s32 $0xC0;
	[sflag:s29] =	ssyncadd.s32 $0xFFFFFFC0  }
.LBB2_6:
0xe4: {  	[tilespmem:s17], [sflag:$0x2] =	stream.indirect.gather [hbm4b:s1+s16], $0x80, s6, s16, $0xb8;
	[tilespmem:$0x1E530] =	vst v63  }
0xe5: {  	s6 =	smov.u32 s2  }
0xe6: {  	p1 =	sne.s32 s2, $0x6E00;
	s2 =	sadd.s32 $0x200, s2;
	_ =	swait.ge [sflag:s31], $0x2000  }
0xe7: {  	s6 =	sshra.s32 s6, $0x2;
	[sflag:s31] =	ssyncset.done $0x0  }
0xe8: {  	s7 =	sadd.s32 $0x3200, s6;
	[sflag:s31] =	ssyncadd.s32 $0xFFFFE000  }
0xe9: {  	[spmem:s3] =	stream.indirect.scatter.add.f32 [tilespmem:s30], [sflag:$0x3], $0x80, s7, s16, $0xb8;
	[tilespmem:$0x1E530] =	vst v63  }
0xea: {  	_ =	swait.ge [sflag:s29], $0x2000  }
0xeb: {  	[sflag:s29] =	ssyncset.done $0x0  }
0xec: {  	[sflag:s29] =	ssyncadd.s32 $0xFFFFE000  }
0xed: {  	[spmem:s4] =	stream.indirect.scatter.add.f32 [tilespmem:s28], [sflag:$0x3], $0x1, s7, s16, $0xb8;
	[tilespmem:$0x1E530] =	vst v63  }
0xee: {  	_ =	swait.ge [sflag:s29], $0x40  }
0xef: {  	[sflag:s29] =	ssyncset.done $0x0  }
0xf0: {  	s7 =	sadd.s32 $0x80, s6;
	[sflag:s29] =	ssyncadd.s32 $0xFFFFFFC0  }
0xf1: {  	[tilespmem:s30], [sflag:$0x1] =	stream.indirect.gather [hbm4b:s1+s16], $0x80, s7, s16, $0xb8;
	[tilespmem:$0x1E530] =	vst v63  }
0xf2: {  	_ =	swait.ge [sflag:s18], $0x2000  }
0xf3: {  	[sflag:s18] =	ssyncset.done $0x0  }
0xf4: {  	s7 =	sadd.s32 $0x3240, s6;
	[sflag:s18] =	ssyncadd.s32 $0xFFFFE000  }
0xf5: {  	[spmem:s3] =	stream.indirect.scatter.add.f32 [tilespmem:s17], [sflag:$0x3], $0x80, s7, s16, $0xb8;
	[tilespmem:$0x1E530] =	vst v63  }
0xf6: {  	_ =	swait.ge [sflag:s29], $0x2000  }
0xf7: {  	[sflag:s29] =	ssyncset.done $0x0  }
.Ltmp6:
0xf8: {  	[sflag:s29] =	ssyncadd.s32 $0xFFFFE000;
	(pc) =	sbr.rel @p1 .LBB2_6-.Ltmp6, $4  }
0xf9: {  	[spmem:s4] =	stream.indirect.scatter.add.f32 [tilespmem:s28], [sflag:$0x3], $0x1, s7, s16, $0xb8;
	[tilespmem:$0x1E530] =	vst v63  }
0xfa: {  	_ =	swait.ge [sflag:s29], $0x40  }
0xfb: {  	[sflag:s29] =	ssyncset.done $0x0  }
0xfc: {  	s6 =	sadd.s32 $0xC0, s6;
	[sflag:s29] =	ssyncadd.s32 $0xFFFFFFC0  }
.Ltmp7:
0xfd: {  	(pc) =	sbr.rel .LBB2_8-.Ltmp7, $3  }
0xfe: {  	_ =	sdelay $0x1  }
0xff: {  	[tilespmem:s17], [sflag:$0x2] =	stream.indirect.gather [hbm4b:s1+s16], $0x80, s6, s16, $0xb8;
	[tilespmem:$0x1E530] =	vst v63  }
0x100: {  	s2 =	simm.s32 $0x4E40;
	s6 =	simm.s32 $0x4E00  }
.LBB2_9:
0x101: {  	_ =	sfence.sel $0x180000  }
0x102: {  	[bflag:$0x0] =	sbarrier.arrive $0xFFFF  }
0x103: {  	_ =	strace $0x90000047  }
0x104: {  	s0 =	stileid.u32;
	[bflag:$0x2] =	sbarrier.arrive $0xFFFF  }
0x105: {  	p0 =	sne.s32 s0, $0x0;
	s0 =	rddreg [dreg:$0x5]  }
0x106: {  	s0 =	sadd.s32 @!p0 $0x100000, s0  }
0x107: {  	[sflag:s0] =	ssyncadd.tile.s32 @!p0 $0x1;
	_ =	shalt  }
.Lfunc_end2:
_tile_overlayer_lowered:
.L_overlay_start_2:
0x108: {  	(tag) =	ssettag $0x2  }
0x109: {  	s0 =	rddreg [dreg:$0x0];
	s2 =	stileid.u32  }
0x10a: {  	s1 =	rddreg [dreg:$0x1];
	p0 =	sne.s32 s2, $0x0  }
0x10b: {  	s3 =	rddreg [dreg:$0x2];
	[bflag:$0x3] =	sbarrier.arrive $0xFFFF;
	s2 =	simm.s32 @!p0 $0x1C03  }
0x10c: {  	[timem:s3], [sflag:s2] =	dma.local @!p0 [hbm:s0], s1  }
0x10d: {  	s0 =	simm.s32 @!p0 $0x3  }
0x10e: {  	_ =	swait.ge @!p0 [sflag:s0], s1  }
0x10f: {  	s1 =	ssub.s32 @!p0 $0x0, s1;
	[sflag:s0] =	ssyncset.done @!p0 $0x0  }
0x110: {  	[sflag:s0] =	ssyncadd.s32 @!p0 s1  }
0x111: {  	[bflag:$0x3] =	sbarrier.arrive $0xFFFF  }
0x112: {  	_ =	shalt  }

</sc_bundles>
